<compile_context>
chip_gen: v7x
topology: tpu7x:2x2x1
jax: 0.10.2.dev20260603
libtpu: 0.0.44.dev20260713+nightly
codegen_flags: <defaults>
</compile_context>

<pallas_src>
import functools

import jax
import jax.numpy as jnp
from jax import lax
from jax.experimental import pallas as pl
from jax.experimental.pallas import tpu as pltpu
from jax.experimental.pallas import tpu_sc as plsc

B = 16384
TEXT_DIM = 256
SENT_DIM = 16
OUT_DIM = TEXT_DIM + SENT_DIM
L = 16

NUM_CORES = 2
NUM_SUBCORES = 16
NUM_WORKERS = NUM_CORES * NUM_SUBCORES
BPW = B // NUM_WORKERS
CHUNK = 128
NCHUNK = BPW // CHUNK


def _encode_body(text_hbm, ids_hbm, table_hbm, out_hbm,
                 idx_v, table_v, obuf0, obuf1,
                 rsem0, rsem1, wsem0, wsem1):
    wid = lax.axis_index("s") * NUM_CORES + lax.axis_index("c")
    base = wid * BPW

    pltpu.sync_copy(ids_hbm.at[pl.ds(base, BPW)], idx_v)
    pltpu.sync_copy(table_hbm, table_v)

    bufs = (obuf0, obuf1)
    rsems = (rsem0, rsem1)
    wsems = (wsem0, wsem1)
    in_cp = [None, None]
    out_cp = [None, None]
    lane = lax.iota(jnp.int32, L)

    in_cp[0] = pltpu.make_async_copy(
        text_hbm.at[pl.ds(base, CHUNK)], bufs[0].at[:, pl.ds(0, TEXT_DIM)],
        rsems[0])
    in_cp[0].start()

    for c in range(NCHUNK):
        b = c % 2
        nb = (c + 1) % 2
        if c + 1 < NCHUNK:
            if out_cp[nb] is not None:
                out_cp[nb].wait()
                out_cp[nb] = None
            in_cp[nb] = pltpu.make_async_copy(
                text_hbm.at[pl.ds(base + (c + 1) * CHUNK, CHUNK)],
                bufs[nb].at[:, pl.ds(0, TEXT_DIM)], rsems[nb])
            in_cp[nb].start()

        def lookup_group(p, _, _buf=bufs[b], _c=c):
            rows = p * L + lane
            ids_vec = idx_v[pl.ds(_c * CHUNK + p * L, L)]
            for j in range(SENT_DIM):
                col_j = jnp.full((L,), TEXT_DIM + j, jnp.int32)
                vals = plsc.load_gather(table_v, [ids_vec, col_j - TEXT_DIM])
                plsc.store_scatter(_buf, [rows, col_j], vals)
            return 0

        lax.fori_loop(0, CHUNK // L, lookup_group, 0)

        in_cp[b].wait()
        out_cp[b] = pltpu.make_async_copy(
            bufs[b], out_hbm.at[pl.ds(base + c * CHUNK, CHUNK)], wsems[b])
        out_cp[b].start()

    for b in range(2):
        if out_cp[b] is not None:
            out_cp[b].wait()


@functools.partial(jax.jit, static_argnames=())
def kernel(text_embed, sentiment_ids, sentiment_table):
    ids32 = sentiment_ids.astype(jnp.int32)
    mesh = plsc.VectorSubcoreMesh(core_axis_name="c", subcore_axis_name="s")
    enc = pl.kernel(
        _encode_body,
        mesh=mesh,
        compiler_params=pltpu.CompilerParams(needs_layout_passes=False),
        out_type=jax.ShapeDtypeStruct((B, OUT_DIM), jnp.float32),
        scratch_types=[
            pltpu.VMEM((BPW,), jnp.int32),
            pltpu.VMEM((3, SENT_DIM), jnp.float32),
            pltpu.VMEM((CHUNK, OUT_DIM), jnp.float32),
            pltpu.VMEM((CHUNK, OUT_DIM), jnp.float32),
            pltpu.SemaphoreType.DMA,
            pltpu.SemaphoreType.DMA,
            pltpu.SemaphoreType.DMA,
            pltpu.SemaphoreType.DMA,
        ],
    )
    return enc(text_embed, ids32, sentiment_table)

# --- scband reference (transcript-rebuilt; emitter-appended) ---
"""Pipeline reference for scband-candidate-encoder-71021579206905 (READ-ONLY COPY).

The authoritative reference and input builder live on the scoring server;
editing this copy changes nothing except your own understanding.
"""

import jax, jax.numpy as jnp
import numpy as np

B = 16384
TEXT_DIM = 256
SENT_DIM = 16
NUM_SENT = 3

def setup_inputs(seed: int = 0) -> dict:
    key = jax.random.key(seed)
    k1, k2, k3 = jax.random.split(key, 3)
    text_embed = jax.random.normal(k1, (B, TEXT_DIM), dtype=jnp.float32)
    sentiment_ids = jax.random.randint(k2, (B,), 0, NUM_SENT, dtype=jnp.int64 if jax.config.jax_enable_x64 else jnp.int32)
    sentiment_table = jax.random.normal(k3, (NUM_SENT, SENT_DIM), dtype=jnp.float32)
    return {"text_embed": text_embed, "sentiment_ids": sentiment_ids, "sentiment_table": sentiment_table}

def reference(text_embed, sentiment_ids, sentiment_table):
    # nn.Embedding lookup -> table gather
    sentiment_embed = jnp.take(sentiment_table, sentiment_ids, axis=0)
    return jnp.concatenate([text_embed, sentiment_embed], axis=1)

if __name__ == "__main__":
    import jax
    _d = setup_inputs()
    print(jax.jit(kernel)(*tuple(_d.values())))

</pallas_src>

<mosaic_0001>
#map = affine_map<(d0, d1) -> (0, 0)>
#map1 = affine_map<(d0, d1) -> (0)>
module attributes {stable_mosaic.version = 14 : i64} {
  func.func @_encode_body(%arg0: i32, %arg1: i32, %arg2: memref<16384x256xf32, #tpu.memory_space<hbm>>, %arg3: memref<16384xi32, #tpu.memory_space<hbm>>, %arg4: memref<3x16xf32, #tpu.memory_space<hbm>>, %arg5: memref<16384x272xf32, #tpu.memory_space<hbm>>, %arg6: memref<512xi32, #tpu.memory_space<vmem>>, %arg7: memref<3x16xf32, #tpu.memory_space<vmem>>, %arg8: memref<128x272xf32, #tpu.memory_space<vmem>>, %arg9: memref<128x272xf32, #tpu.memory_space<vmem>>, %arg10: memref<!tpu.dma_semaphore, #tpu.memory_space<semaphore_mem>>, %arg11: memref<!tpu.dma_semaphore, #tpu.memory_space<semaphore_mem>>, %arg12: memref<!tpu.dma_semaphore, #tpu.memory_space<semaphore_mem>>, %arg13: memref<!tpu.dma_semaphore, #tpu.memory_space<semaphore_mem>>) attributes {dimension_semantics = [#tpu.dimension_semantics<core_parallel>, #tpu.dimension_semantics<subcore_parallel>], iteration_bounds = array<i64: 2, 16>, scalar_prefetch = 0 : i64, scratch_operands = 8 : i64, tpu.core_type = #tpu.core_type<sc_vector_subcore>, window_params = [{transform_indices = #map}, {transform_indices = #map1}, {transform_indices = #map}, {transform_indices = #map}]} {
    %mul3A = arith.constant 2 : i32
    %mul3A_0 = arith.muli %arg1, %mul3A : i32
    %add3A = arith.addi %mul3A_0, %arg0 : i32
    %mul3A_1 = arith.constant 512 : i32
    %mul3A_2 = arith.muli %add3A, %mul3A_1 : i32
    "tpu.region"() ({
      %run_scoped3A = tpu.sem_alloc : memref<!tpu.dma_semaphore, #tpu.memory_space<semaphore_mem>>
      %dma_start3A_154 = tpu.memref_slice %arg3[%mul3A_2] : memref<16384xi32, #tpu.memory_space<hbm>> -> memref<512xi32, #tpu.memory_space<hbm>>
      %dma_start3A_155 = tpu.memref_slice %arg3[%mul3A_2] : memref<16384xi32, #tpu.memory_space<hbm>> -> memref<512xi32, #tpu.memory_space<hbm>>
      tpu.enqueue_dma source(%dma_start3A_155 : memref<512xi32, #tpu.memory_space<hbm>>) target(%arg6 : memref<512xi32, #tpu.memory_space<vmem>>) target_semaphore(%run_scoped3A : memref<!tpu.dma_semaphore, #tpu.memory_space<semaphore_mem>>)
      %dma_wait3A_156 = tpu.memref_slice %arg3[%mul3A_2] : memref<16384xi32, #tpu.memory_space<hbm>> -> memref<512xi32, #tpu.memory_space<hbm>>
      %dma_wait3A_157 = tpu.memref_slice %arg3[%mul3A_2] : memref<16384xi32, #tpu.memory_space<hbm>> -> memref<512xi32, #tpu.memory_space<hbm>>
      tpu.wait_dma2 semaphore(%run_scoped3A : memref<!tpu.dma_semaphore, #tpu.memory_space<semaphore_mem>>) src(%dma_wait3A_157 : memref<512xi32, #tpu.memory_space<hbm>>) dst(%arg6 : memref<512xi32, #tpu.memory_space<vmem>>)
      tpu.yield
    }) : () -> ()
    "tpu.region"() ({
      %run_scoped3A = tpu.sem_alloc : memref<!tpu.dma_semaphore, #tpu.memory_space<semaphore_mem>>
      tpu.enqueue_dma source(%arg4 : memref<3x16xf32, #tpu.memory_space<hbm>>) target(%arg7 : memref<3x16xf32, #tpu.memory_space<vmem>>) target_semaphore(%run_scoped3A : memref<!tpu.dma_semaphore, #tpu.memory_space<semaphore_mem>>)
      tpu.wait_dma2 semaphore(%run_scoped3A : memref<!tpu.dma_semaphore, #tpu.memory_space<semaphore_mem>>) src(%arg4 : memref<3x16xf32, #tpu.memory_space<hbm>>) dst(%arg7 : memref<3x16xf32, #tpu.memory_space<vmem>>)
      tpu.yield
    }) : () -> ()
    %iota3A = tpu.iota {dimensions = array<i32: 0>} : vector<16xi32>
    %dma_start3A = arith.constant 0 : i32
    %dma_start3A_3 = arith.constant 0 : i32
    %dma_start3A_4 = tpu.memref_slice %arg8[%dma_start3A, %dma_start3A_3] : memref<128x272xf32, #tpu.memory_space<vmem>> -> memref<128x256xf32, #tpu.memory_space<vmem>>
    %dma_start3A_5 = arith.constant 0 : i32
    %dma_start3A_6 = tpu.memref_slice %arg2[%mul3A_2, %dma_start3A_5] : memref<16384x256xf32, #tpu.memory_space<hbm>> -> memref<128x256xf32, #tpu.memory_space<hbm>>
    %dma_start3A_7 = arith.constant 0 : i32
    %dma_start3A_8 = arith.constant 0 : i32
    %dma_start3A_9 = tpu.memref_slice %arg8[%dma_start3A_7, %dma_start3A_8] : memref<128x272xf32, #tpu.memory_space<vmem>> -> memref<128x256xf32, #tpu.memory_space<vmem>>
    %dma_start3A_10 = arith.constant 0 : i32
    %dma_start3A_11 = tpu.memref_slice %arg2[%mul3A_2, %dma_start3A_10] : memref<16384x256xf32, #tpu.memory_space<hbm>> -> memref<128x256xf32, #tpu.memory_space<hbm>>
    tpu.enqueue_dma source(%dma_start3A_11 : memref<128x256xf32, #tpu.memory_space<hbm>>) target(%dma_start3A_9 : memref<128x256xf32, #tpu.memory_space<vmem>>) target_semaphore(%arg10 : memref<!tpu.dma_semaphore, #tpu.memory_space<semaphore_mem>>)
    %add3A_12 = arith.constant 128 : i32
    %add3A_13 = arith.addi %mul3A_2, %add3A_12 : i32
    %dma_start3A_14 = arith.constant 0 : i32
    %dma_start3A_15 = arith.constant 0 : i32
    %dma_start3A_16 = tpu.memref_slice %arg9[%dma_start3A_14, %dma_start3A_15] : memref<128x272xf32, #tpu.memory_space<vmem>> -> memref<128x256xf32, #tpu.memory_space<vmem>>
    %dma_start3A_17 = arith.constant 0 : i32
    %dma_start3A_18 = tpu.memref_slice %arg2[%add3A_13, %dma_start3A_17] : memref<16384x256xf32, #tpu.memory_space<hbm>> -> memref<128x256xf32, #tpu.memory_space<hbm>>
    %dma_start3A_19 = arith.constant 0 : i32
    %dma_start3A_20 = arith.constant 0 : i32
    %dma_start3A_21 = tpu.memref_slice %arg9[%dma_start3A_19, %dma_start3A_20] : memref<128x272xf32, #tpu.memory_space<vmem>> -> memref<128x256xf32, #tpu.memory_space<vmem>>
    %dma_start3A_22 = arith.constant 0 : i32
    %dma_start3A_23 = tpu.memref_slice %arg2[%add3A_13, %dma_start3A_22] : memref<16384x256xf32, #tpu.memory_space<hbm>> -> memref<128x256xf32, #tpu.memory_space<hbm>>
    tpu.enqueue_dma source(%dma_start3A_23 : memref<128x256xf32, #tpu.memory_space<hbm>>) target(%dma_start3A_21 : memref<128x256xf32, #tpu.memory_space<vmem>>) target_semaphore(%arg11 : memref<!tpu.dma_semaphore, #tpu.memory_space<semaphore_mem>>)
    %scan3A = arith.constant 0 : i32
    %scan3A_24 = arith.constant 0 : i32
    %scan3A_25 = arith.constant 8 : i32
    %scan3A_26 = arith.addi %scan3A_24, %scan3A_25 : i32
    %scan3A_27 = arith.constant 1 : i32
    %scan3A_28 = scf.for %scan3A_154 = %scan3A_24 to %scan3A_26 step %scan3A_27 iter_args(%scan3A_155 = %scan3A) -> (i32)  : i32 {
      %mul3A_156 = arith.constant 16 : i32
      %mul3A_157 = arith.muli %scan3A_154, %mul3A_156 : i32
      %add3A_158 = vector.broadcast %mul3A_157 : i32 to vector<16xi32>
      %add3A_159 = arith.addi %add3A_158, %iota3A : vector<16xi32>
      %mul3A_160 = arith.constant 16 : i32
      %mul3A_161 = arith.muli %scan3A_154, %mul3A_160 : i32
      %add3A_162 = arith.constant 0 : i32
      %add3A_163 = arith.addi %add3A_162, %mul3A_161 : i32
      %get3A = arith.index_cast %add3A_163 : i32 to index
      %get3A_164 = tpu.vector_load %arg6[%get3A] {strides = array<i32>} : memref<512xi32, #tpu.memory_space<vmem>>, vector<16xi32>,
      %broadcast_in_dim3A = arith.constant 256 : i32
      %broadcast_in_dim3A_165 = vector.broadcast %broadcast_in_dim3A : i32 to vector<16xi32>
      %sub3A = arith.constant 256 : i32
      %sub3A_166 = vector.broadcast %sub3A : i32 to vector<16xi32>
      %sub3A_167 = arith.subi %broadcast_in_dim3A_165, %sub3A_166 : vector<16xi32>
      %gather3A = tpu.vector_load_idx %arg7[%get3A_164, %sub3A_167] : memref<3x16xf32, #tpu.memory_space<vmem>>[vector<16xi32>, vector<16xi32>], vector<16xf32>,
      tpu.vector_store_idx %arg8[%add3A_159, %broadcast_in_dim3A_165], %gather3A : memref<128x272xf32, #tpu.memory_space<vmem>>[vector<16xi32>, vector<16xi32>], vector<16xf32>,
      %broadcast_in_dim3A_168 = arith.constant 257 : i32
      %broadcast_in_dim3A_169 = vector.broadcast %broadcast_in_dim3A_168 : i32 to vector<16xi32>
      %sub3A_170 = arith.constant 256 : i32
      %sub3A_171 = vector.broadcast %sub3A_170 : i32 to vector<16xi32>
      %sub3A_172 = arith.subi %broadcast_in_dim3A_169, %sub3A_171 : vector<16xi32>
      %gather3A_173 = tpu.vector_load_idx %arg7[%get3A_164, %sub3A_172] : memref<3x16xf32, #tpu.memory_space<vmem>>[vector<16xi32>, vector<16xi32>], vector<16xf32>,
      tpu.vector_store_idx %arg8[%add3A_159, %broadcast_in_dim3A_169], %gather3A_173 : memref<128x272xf32, #tpu.memory_space<vmem>>[vector<16xi32>, vector<16xi32>], vector<16xf32>,
      %broadcast_in_dim3A_174 = arith.constant 258 : i32
      %broadcast_in_dim3A_175 = vector.broadcast %broadcast_in_dim3A_174 : i32 to vector<16xi32>
      %sub3A_176 = arith.constant 256 : i32
      %sub3A_177 = vector.broadcast %sub3A_176 : i32 to vector<16xi32>
      %sub3A_178 = arith.subi %broadcast_in_dim3A_175, %sub3A_177 : vector<16xi32>
      %gather3A_179 = tpu.vector_load_idx %arg7[%get3A_164, %sub3A_178] : memref<3x16xf32, #tpu.memory_space<vmem>>[vector<16xi32>, vector<16xi32>], vector<16xf32>,
      tpu.vector_store_idx %arg8[%add3A_159, %broadcast_in_dim3A_175], %gather3A_179 : memref<128x272xf32, #tpu.memory_space<vmem>>[vector<16xi32>, vector<16xi32>], vector<16xf32>,
      %broadcast_in_dim3A_180 = arith.constant 259 : i32
      %broadcast_in_dim3A_181 = vector.broadcast %broadcast_in_dim3A_180 : i32 to vector<16xi32>
      %sub3A_182 = arith.constant 256 : i32
      %sub3A_183 = vector.broadcast %sub3A_182 : i32 to vector<16xi32>
      %sub3A_184 = arith.subi %broadcast_in_dim3A_181, %sub3A_183 : vector<16xi32>
      %gather3A_185 = tpu.vector_load_idx %arg7[%get3A_164, %sub3A_184] : memref<3x16xf32, #tpu.memory_space<vmem>>[vector<16xi32>, vector<16xi32>], vector<16xf32>,
      tpu.vector_store_idx %arg8[%add3A_159, %broadcast_in_dim3A_181], %gather3A_185 : memref<128x272xf32, #tpu.memory_space<vmem>>[vector<16xi32>, vector<16xi32>], vector<16xf32>,
      %broadcast_in_dim3A_186 = arith.constant 260 : i32
      %broadcast_in_dim3A_187 = vector.broadcast %broadcast_in_dim3A_186 : i32 to vector<16xi32>
      %sub3A_188 = arith.constant 256 : i32
      %sub3A_189 = vector.broadcast %sub3A_188 : i32 to vector<16xi32>
      %sub3A_190 = arith.subi %broadcast_in_dim3A_187, %sub3A_189 : vector<16xi32>
      %gather3A_191 = tpu.vector_load_idx %arg7[%get3A_164, %sub3A_190] : memref<3x16xf32, #tpu.memory_space<vmem>>[vector<16xi32>, vector<16xi32>], vector<16xf32>,
      tpu.vector_store_idx %arg8[%add3A_159, %broadcast_in_dim3A_187], %gather3A_191 : memref<128x272xf32, #tpu.memory_space<vmem>>[vector<16xi32>, vector<16xi32>], vector<16xf32>,
      %broadcast_in_dim3A_192 = arith.constant 261 : i32
      %broadcast_in_dim3A_193 = vector.broadcast %broadcast_in_dim3A_192 : i32 to vector<16xi32>
      %sub3A_194 = arith.constant 256 : i32
      %sub3A_195 = vector.broadcast %sub3A_194 : i32 to vector<16xi32>
      %sub3A_196 = arith.subi %broadcast_in_dim3A_193, %sub3A_195 : vector<16xi32>
      %gather3A_197 = tpu.vector_load_idx %arg7[%get3A_164, %sub3A_196] : memref<3x16xf32, #tpu.memory_space<vmem>>[vector<16xi32>, vector<16xi32>], vector<16xf32>,
      tpu.vector_store_idx %arg8[%add3A_159, %broadcast_in_dim3A_193], %gather3A_197 : memref<128x272xf32, #tpu.memory_space<vmem>>[vector<16xi32>, vector<16xi32>], vector<16xf32>,
      %broadcast_in_dim3A_198 = arith.constant 262 : i32
      %broadcast_in_dim3A_199 = vector.broadcast %broadcast_in_dim3A_198 : i32 to vector<16xi32>
      %sub3A_200 = arith.constant 256 : i32
      %sub3A_201 = vector.broadcast %sub3A_200 : i32 to vector<16xi32>
      %sub3A_202 = arith.subi %broadcast_in_dim3A_199, %sub3A_201 : vector<16xi32>
      %gather3A_203 = tpu.vector_load_idx %arg7[%get3A_164, %sub3A_202] : memref<3x16xf32, #tpu.memory_space<vmem>>[vector<16xi32>, vector<16xi32>], vector<16xf32>,
      tpu.vector_store_idx %arg8[%add3A_159, %broadcast_in_dim3A_199], %gather3A_203 : memref<128x272xf32, #tpu.memory_space<vmem>>[vector<16xi32>, vector<16xi32>], vector<16xf32>,
      %broadcast_in_dim3A_204 = arith.constant 263 : i32
      %broadcast_in_dim3A_205 = vector.broadcast %broadcast_in_dim3A_204 : i32 to vector<16xi32>
      %sub3A_206 = arith.constant 256 : i32
      %sub3A_207 = vector.broadcast %sub3A_206 : i32 to vector<16xi32>
      %sub3A_208 = arith.subi %broadcast_in_dim3A_205, %sub3A_207 : vector<16xi32>
      %gather3A_209 = tpu.vector_load_idx %arg7[%get3A_164, %sub3A_208] : memref<3x16xf32, #tpu.memory_space<vmem>>[vector<16xi32>, vector<16xi32>], vector<16xf32>,
      tpu.vector_store_idx %arg8[%add3A_159, %broadcast_in_dim3A_205], %gather3A_209 : memref<128x272xf32, #tpu.memory_space<vmem>>[vector<16xi32>, vector<16xi32>], vector<16xf32>,
      %broadcast_in_dim3A_210 = arith.constant 264 : i32
      %broadcast_in_dim3A_211 = vector.broadcast %broadcast_in_dim3A_210 : i32 to vector<16xi32>
      %sub3A_212 = arith.constant 256 : i32
      %sub3A_213 = vector.broadcast %sub3A_212 : i32 to vector<16xi32>
      %sub3A_214 = arith.subi %broadcast_in_dim3A_211, %sub3A_213 : vector<16xi32>
      %gather3A_215 = tpu.vector_load_idx %arg7[%get3A_164, %sub3A_214] : memref<3x16xf32, #tpu.memory_space<vmem>>[vector<16xi32>, vector<16xi32>], vector<16xf32>,
      tpu.vector_store_idx %arg8[%add3A_159, %broadcast_in_dim3A_211], %gather3A_215 : memref<128x272xf32, #tpu.memory_space<vmem>>[vector<16xi32>, vector<16xi32>], vector<16xf32>,
      %broadcast_in_dim3A_216 = arith.constant 265 : i32
      %broadcast_in_dim3A_217 = vector.broadcast %broadcast_in_dim3A_216 : i32 to vector<16xi32>
      %sub3A_218 = arith.constant 256 : i32
      %sub3A_219 = vector.broadcast %sub3A_218 : i32 to vector<16xi32>
      %sub3A_220 = arith.subi %broadcast_in_dim3A_217, %sub3A_219 : vector<16xi32>
      %gather3A_221 = tpu.vector_load_idx %arg7[%get3A_164, %sub3A_220] : memref<3x16xf32, #tpu.memory_space<vmem>>[vector<16xi32>, vector<16xi32>], vector<16xf32>,
      tpu.vector_store_idx %arg8[%add3A_159, %broadcast_in_dim3A_217], %gather3A_221 : memref<128x272xf32, #tpu.memory_space<vmem>>[vector<16xi32>, vector<16xi32>], vector<16xf32>,
      %broadcast_in_dim3A_222 = arith.constant 266 : i32
      %broadcast_in_dim3A_223 = vector.broadcast %broadcast_in_dim3A_222 : i32 to vector<16xi32>
      %sub3A_224 = arith.constant 256 : i32
      %sub3A_225 = vector.broadcast %sub3A_224 : i32 to vector<16xi32>
      %sub3A_226 = arith.subi %broadcast_in_dim3A_223, %sub3A_225 : vector<16xi32>
      %gather3A_227 = tpu.vector_load_idx %arg7[%get3A_164, %sub3A_226] : memref<3x16xf32, #tpu.memory_space<vmem>>[vector<16xi32>, vector<16xi32>], vector<16xf32>,
      tpu.vector_store_idx %arg8[%add3A_159, %broadcast_in_dim3A_223], %gather3A_227 : memref<128x272xf32, #tpu.memory_space<vmem>>[vector<16xi32>, vector<16xi32>], vector<16xf32>,
      %broadcast_in_dim3A_228 = arith.constant 267 : i32
      %broadcast_in_dim3A_229 = vector.broadcast %broadcast_in_dim3A_228 : i32 to vector<16xi32>
      %sub3A_230 = arith.constant 256 : i32
      %sub3A_231 = vector.broadcast %sub3A_230 : i32 to vector<16xi32>
      %sub3A_232 = arith.subi %broadcast_in_dim3A_229, %sub3A_231 : vector<16xi32>
      %gather3A_233 = tpu.vector_load_idx %arg7[%get3A_164, %sub3A_232] : memref<3x16xf32, #tpu.memory_space<vmem>>[vector<16xi32>, vector<16xi32>], vector<16xf32>,
      tpu.vector_store_idx %arg8[%add3A_159, %broadcast_in_dim3A_229], %gather3A_233 : memref<128x272xf32, #tpu.memory_space<vmem>>[vector<16xi32>, vector<16xi32>], vector<16xf32>,
      %broadcast_in_dim3A_234 = arith.constant 268 : i32
      %broadcast_in_dim3A_235 = vector.broadcast %broadcast_in_dim3A_234 : i32 to vector<16xi32>
      %sub3A_236 = arith.constant 256 : i32
      %sub3A_237 = vector.broadcast %sub3A_236 : i32 to vector<16xi32>
      %sub3A_238 = arith.subi %broadcast_in_dim3A_235, %sub3A_237 : vector<16xi32>
      %gather3A_239 = tpu.vector_load_idx %arg7[%get3A_164, %sub3A_238] : memref<3x16xf32, #tpu.memory_space<vmem>>[vector<16xi32>, vector<16xi32>], vector<16xf32>,
      tpu.vector_store_idx %arg8[%add3A_159, %broadcast_in_dim3A_235], %gather3A_239 : memref<128x272xf32, #tpu.memory_space<vmem>>[vector<16xi32>, vector<16xi32>], vector<16xf32>,
      %broadcast_in_dim3A_240 = arith.constant 269 : i32
      %broadcast_in_dim3A_241 = vector.broadcast %broadcast_in_dim3A_240 : i32 to vector<16xi32>
      %sub3A_242 = arith.constant 256 : i32
      %sub3A_243 = vector.broadcast %sub3A_242 : i32 to vector<16xi32>
      %sub3A_244 = arith.subi %broadcast_in_dim3A_241, %sub3A_243 : vector<16xi32>
      %gather3A_245 = tpu.vector_load_idx %arg7[%get3A_164, %sub3A_244] : memref<3x16xf32, #tpu.memory_space<vmem>>[vector<16xi32>, vector<16xi32>], vector<16xf32>,
      tpu.vector_store_idx %arg8[%add3A_159, %broadcast_in_dim3A_241], %gather3A_245 : memref<128x272xf32, #tpu.memory_space<vmem>>[vector<16xi32>, vector<16xi32>], vector<16xf32>,
      %broadcast_in_dim3A_246 = arith.constant 270 : i32
      %broadcast_in_dim3A_247 = vector.broadcast %broadcast_in_dim3A_246 : i32 to vector<16xi32>
      %sub3A_248 = arith.constant 256 : i32
      %sub3A_249 = vector.broadcast %sub3A_248 : i32 to vector<16xi32>
      %sub3A_250 = arith.subi %broadcast_in_dim3A_247, %sub3A_249 : vector<16xi32>
      %gather3A_251 = tpu.vector_load_idx %arg7[%get3A_164, %sub3A_250] : memref<3x16xf32, #tpu.memory_space<vmem>>[vector<16xi32>, vector<16xi32>], vector<16xf32>,
      tpu.vector_store_idx %arg8[%add3A_159, %broadcast_in_dim3A_247], %gather3A_251 : memref<128x272xf32, #tpu.memory_space<vmem>>[vector<16xi32>, vector<16xi32>], vector<16xf32>,
      %broadcast_in_dim3A_252 = arith.constant 271 : i32
      %broadcast_in_dim3A_253 = vector.broadcast %broadcast_in_dim3A_252 : i32 to vector<16xi32>
      %sub3A_254 = arith.constant 256 : i32
      %sub3A_255 = vector.broadcast %sub3A_254 : i32 to vector<16xi32>
      %sub3A_256 = arith.subi %broadcast_in_dim3A_253, %sub3A_255 : vector<16xi32>
      %gather3A_257 = tpu.vector_load_idx %arg7[%get3A_164, %sub3A_256] : memref<3x16xf32, #tpu.memory_space<vmem>>[vector<16xi32>, vector<16xi32>], vector<16xf32>,
      tpu.vector_store_idx %arg8[%add3A_159, %broadcast_in_dim3A_253], %gather3A_257 : memref<128x272xf32, #tpu.memory_space<vmem>>[vector<16xi32>, vector<16xi32>], vector<16xf32>,
      %scan3A_258 = arith.constant 0 : i32
      scf.yield %scan3A_258 : i32
    }
    %scan3A_29 = arith.constant 8 : i32
    %dma_wait3A = arith.constant 0 : i32
    %dma_wait3A_30 = arith.constant 0 : i32
    %dma_wait3A_31 = tpu.memref_slice %arg8[%dma_wait3A, %dma_wait3A_30] : memref<128x272xf32, #tpu.memory_space<vmem>> -> memref<128x256xf32, #tpu.memory_space<vmem>>
    %dma_wait3A_32 = arith.constant 0 : i32
    %dma_wait3A_33 = tpu.memref_slice %arg2[%mul3A_2, %dma_wait3A_32] : memref<16384x256xf32, #tpu.memory_space<hbm>> -> memref<128x256xf32, #tpu.memory_space<hbm>>
    %dma_wait3A_34 = arith.constant 0 : i32
    %dma_wait3A_35 = arith.constant 0 : i32
    %dma_wait3A_36 = tpu.memref_slice %arg8[%dma_wait3A_34, %dma_wait3A_35] : memref<128x272xf32, #tpu.memory_space<vmem>> -> memref<128x256xf32, #tpu.memory_space<vmem>>
    %dma_wait3A_37 = arith.constant 0 : i32
    %dma_wait3A_38 = tpu.memref_slice %arg2[%mul3A_2, %dma_wait3A_37] : memref<16384x256xf32, #tpu.memory_space<hbm>> -> memref<128x256xf32, #tpu.memory_space<hbm>>
    tpu.wait_dma2 semaphore(%arg10 : memref<!tpu.dma_semaphore, #tpu.memory_space<semaphore_mem>>) src(%dma_wait3A_38 : memref<128x256xf32, #tpu.memory_space<hbm>>) dst(%dma_wait3A_36 : memref<128x256xf32, #tpu.memory_space<vmem>>)
    %add3A_39 = arith.constant 0 : i32
    %add3A_40 = arith.addi %mul3A_2, %add3A_39 : i32
    %dma_start3A_41 = arith.constant 0 : i32
    %dma_start3A_42 = tpu.memref_slice %arg5[%add3A_40, %dma_start3A_41] : memref<16384x272xf32, #tpu.memory_space<hbm>> -> memref<128x272xf32, #tpu.memory_space<hbm>>
    %dma_start3A_43 = arith.constant 0 : i32
    %dma_start3A_44 = tpu.memref_slice %arg5[%add3A_40, %dma_start3A_43] : memref<16384x272xf32, #tpu.memory_space<hbm>> -> memref<128x272xf32, #tpu.memory_space<hbm>>
    tpu.enqueue_dma source(%arg8 : memref<128x272xf32, #tpu.memory_space<vmem>>) target(%dma_start3A_44 : memref<128x272xf32, #tpu.memory_space<hbm>>) target_semaphore(%arg12 : memref<!tpu.dma_semaphore, #tpu.memory_space<semaphore_mem>>)
    %dma_wait3A_45 = arith.constant 0 : i32
    %dma_wait3A_46 = tpu.memref_slice %arg5[%add3A_40, %dma_wait3A_45] : memref<16384x272xf32, #tpu.memory_space<hbm>> -> memref<128x272xf32, #tpu.memory_space<hbm>>
    %dma_wait3A_47 = arith.constant 0 : i32
    %dma_wait3A_48 = tpu.memref_slice %arg5[%add3A_40, %dma_wait3A_47] : memref<16384x272xf32, #tpu.memory_space<hbm>> -> memref<128x272xf32, #tpu.memory_space<hbm>>
    tpu.wait_dma2 semaphore(%arg12 : memref<!tpu.dma_semaphore, #tpu.memory_space<semaphore_mem>>) src(%arg8 : memref<128x272xf32, #tpu.memory_space<vmem>>) dst(%dma_wait3A_48 : memref<128x272xf32, #tpu.memory_space<hbm>>)
    %add3A_49 = arith.constant 256 : i32
    %add3A_50 = arith.addi %mul3A_2, %add3A_49 : i32
    %dma_start3A_51 = arith.constant 0 : i32
    %dma_start3A_52 = arith.constant 0 : i32
    %dma_start3A_53 = tpu.memref_slice %arg8[%dma_start3A_51, %dma_start3A_52] : memref<128x272xf32, #tpu.memory_space<vmem>> -> memref<128x256xf32, #tpu.memory_space<vmem>>
    %dma_start3A_54 = arith.constant 0 : i32
    %dma_start3A_55 = tpu.memref_slice %arg2[%add3A_50, %dma_start3A_54] : memref<16384x256xf32, #tpu.memory_space<hbm>> -> memref<128x256xf32, #tpu.memory_space<hbm>>
    %dma_start3A_56 = arith.constant 0 : i32
    %dma_start3A_57 = arith.constant 0 : i32
    %dma_start3A_58 = tpu.memref_slice %arg8[%dma_start3A_56, %dma_start3A_57] : memref<128x272xf32, #tpu.memory_space<vmem>> -> memref<128x256xf32, #tpu.memory_space<vmem>>
    %dma_start3A_59 = arith.constant 0 : i32
    %dma_start3A_60 = tpu.memref_slice %arg2[%add3A_50, %dma_start3A_59] : memref<16384x256xf32, #tpu.memory_space<hbm>> -> memref<128x256xf32, #tpu.memory_space<hbm>>
    tpu.enqueue_dma source(%dma_start3A_60 : memref<128x256xf32, #tpu.memory_space<hbm>>) target(%dma_start3A_58 : memref<128x256xf32, #tpu.memory_space<vmem>>) target_semaphore(%arg10 : memref<!tpu.dma_semaphore, #tpu.memory_space<semaphore_mem>>)
    %scan3A_61 = arith.constant 0 : i32
    %scan3A_62 = arith.constant 0 : i32
    %scan3A_63 = arith.constant 8 : i32
    %scan3A_64 = arith.addi %scan3A_62, %scan3A_63 : i32
    %scan3A_65 = arith.constant 1 : i32
    %scan3A_66 = scf.for %scan3A_154 = %scan3A_62 to %scan3A_64 step %scan3A_65 iter_args(%scan3A_155 = %scan3A_61) -> (i32)  : i32 {
      %mul3A_156 = arith.constant 16 : i32
      %mul3A_157 = arith.muli %scan3A_154, %mul3A_156 : i32
      %add3A_158 = vector.broadcast %mul3A_157 : i32 to vector<16xi32>
      %add3A_159 = arith.addi %add3A_158, %iota3A : vector<16xi32>
      %mul3A_160 = arith.constant 16 : i32
      %mul3A_161 = arith.muli %scan3A_154, %mul3A_160 : i32
      %add3A_162 = arith.constant 128 : i32
      %add3A_163 = arith.addi %add3A_162, %mul3A_161 : i32
      %get3A = arith.index_cast %add3A_163 : i32 to index
      %get3A_164 = tpu.vector_load %arg6[%get3A] {strides = array<i32>} : memref<512xi32, #tpu.memory_space<vmem>>, vector<16xi32>,
      %broadcast_in_dim3A = arith.constant 256 : i32
      %broadcast_in_dim3A_165 = vector.broadcast %broadcast_in_dim3A : i32 to vector<16xi32>
      %sub3A = arith.constant 256 : i32
      %sub3A_166 = vector.broadcast %sub3A : i32 to vector<16xi32>
      %sub3A_167 = arith.subi %broadcast_in_dim3A_165, %sub3A_166 : vector<16xi32>
      %gather3A = tpu.vector_load_idx %arg7[%get3A_164, %sub3A_167] : memref<3x16xf32, #tpu.memory_space<vmem>>[vector<16xi32>, vector<16xi32>], vector<16xf32>,
      tpu.vector_store_idx %arg9[%add3A_159, %broadcast_in_dim3A_165], %gather3A : memref<128x272xf32, #tpu.memory_space<vmem>>[vector<16xi32>, vector<16xi32>], vector<16xf32>,
      %broadcast_in_dim3A_168 = arith.constant 257 : i32
      %broadcast_in_dim3A_169 = vector.broadcast %broadcast_in_dim3A_168 : i32 to vector<16xi32>
      %sub3A_170 = arith.constant 256 : i32
      %sub3A_171 = vector.broadcast %sub3A_170 : i32 to vector<16xi32>
      %sub3A_172 = arith.subi %broadcast_in_dim3A_169, %sub3A_171 : vector<16xi32>
      %gather3A_173 = tpu.vector_load_idx %arg7[%get3A_164, %sub3A_172] : memref<3x16xf32, #tpu.memory_space<vmem>>[vector<16xi32>, vector<16xi32>], vector<16xf32>,
      tpu.vector_store_idx %arg9[%add3A_159, %broadcast_in_dim3A_169], %gather3A_173 : memref<128x272xf32, #tpu.memory_space<vmem>>[vector<16xi32>, vector<16xi32>], vector<16xf32>,
      %broadcast_in_dim3A_174 = arith.constant 258 : i32
      %broadcast_in_dim3A_175 = vector.broadcast %broadcast_in_dim3A_174 : i32 to vector<16xi32>
      %sub3A_176 = arith.constant 256 : i32
      %sub3A_177 = vector.broadcast %sub3A_176 : i32 to vector<16xi32>
      %sub3A_178 = arith.subi %broadcast_in_dim3A_175, %sub3A_177 : vector<16xi32>
      %gather3A_179 = tpu.vector_load_idx %arg7[%get3A_164, %sub3A_178] : memref<3x16xf32, #tpu.memory_space<vmem>>[vector<16xi32>, vector<16xi32>], vector<16xf32>,
      tpu.vector_store_idx %arg9[%add3A_159, %broadcast_in_dim3A_175], %gather3A_179 : memref<128x272xf32, #tpu.memory_space<vmem>>[vector<16xi32>, vector<16xi32>], vector<16xf32>,
      %broadcast_in_dim3A_180 = arith.constant 259 : i32
      %broadcast_in_dim3A_181 = vector.broadcast %broadcast_in_dim3A_180 : i32 to vector<16xi32>
      %sub3A_182 = arith.constant 256 : i32
      %sub3A_183 = vector.broadcast %sub3A_182 : i32 to vector<16xi32>
      %sub3A_184 = arith.subi %broadcast_in_dim3A_181, %sub3A_183 : vector<16xi32>
      %gather3A_185 = tpu.vector_load_idx %arg7[%get3A_164, %sub3A_184] : memref<3x16xf32, #tpu.memory_space<vmem>>[vector<16xi32>, vector<16xi32>], vector<16xf32>,
      tpu.vector_store_idx %arg9[%add3A_159, %broadcast_in_dim3A_181], %gather3A_185 : memref<128x272xf32, #tpu.memory_space<vmem>>[vector<16xi32>, vector<16xi32>], vector<16xf32>,
      %broadcast_in_dim3A_186 = arith.constant 260 : i32
      %broadcast_in_dim3A_187 = vector.broadcast %broadcast_in_dim3A_186 : i32 to vector<16xi32>
      %sub3A_188 = arith.constant 256 : i32
      %sub3A_189 = vector.broadcast %sub3A_188 : i32 to vector<16xi32>
      %sub3A_190 = arith.subi %broadcast_in_dim3A_187, %sub3A_189 : vector<16xi32>
      %gather3A_191 = tpu.vector_load_idx %arg7[%get3A_164, %sub3A_190] : memref<3x16xf32, #tpu.memory_space<vmem>>[vector<16xi32>, vector<16xi32>], vector<16xf32>,
      tpu.vector_store_idx %arg9[%add3A_159, %broadcast_in_dim3A_187], %gather3A_191 : memref<128x272xf32, #tpu.memory_space<vmem>>[vector<16xi32>, vector<16xi32>], vector<16xf32>,
      %broadcast_in_dim3A_192 = arith.constant 261 : i32
      %broadcast_in_dim3A_193 = vector.broadcast %broadcast_in_dim3A_192 : i32 to vector<16xi32>
      %sub3A_194 = arith.constant 256 : i32
      %sub3A_195 = vector.broadcast %sub3A_194 : i32 to vector<16xi32>
      %sub3A_196 = arith.subi %broadcast_in_dim3A_193, %sub3A_195 : vector<16xi32>
      %gather3A_197 = tpu.vector_load_idx %arg7[%get3A_164, %sub3A_196] : memref<3x16xf32, #tpu.memory_space<vmem>>[vector<16xi32>, vector<16xi32>], vector<16xf32>,
      tpu.vector_store_idx %arg9[%add3A_159, %broadcast_in_dim3A_193], %gather3A_197 : memref<128x272xf32, #tpu.memory_space<vmem>>[vector<16xi32>, vector<16xi32>], vector<16xf32>,
      %broadcast_in_dim3A_198 = arith.constant 262 : i32
      %broadcast_in_dim3A_199 = vector.broadcast %broadcast_in_dim3A_198 : i32 to vector<16xi32>
      %sub3A_200 = arith.constant 256 : i32
      %sub3A_201 = vector.broadcast %sub3A_200 : i32 to vector<16xi32>
      %sub3A_202 = arith.subi %broadcast_in_dim3A_199, %sub3A_201 : vector<16xi32>
      %gather3A_203 = tpu.vector_load_idx %arg7[%get3A_164, %sub3A_202] : memref<3x16xf32, #tpu.memory_space<vmem>>[vector<16xi32>, vector<16xi32>], vector<16xf32>,
      tpu.vector_store_idx %arg9[%add3A_159, %broadcast_in_dim3A_199], %gather3A_203 : memref<128x272xf32, #tpu.memory_space<vmem>>[vector<16xi32>, vector<16xi32>], vector<16xf32>,
      %broadcast_in_dim3A_204 = arith.constant 263 : i32
      %broadcast_in_dim3A_205 = vector.broadcast %broadcast_in_dim3A_204 : i32 to vector<16xi32>
      %sub3A_206 = arith.constant 256 : i32
      %sub3A_207 = vector.broadcast %sub3A_206 : i32 to vector<16xi32>
      %sub3A_208 = arith.subi %broadcast_in_dim3A_205, %sub3A_207 : vector<16xi32>
      %gather3A_209 = tpu.vector_load_idx %arg7[%get3A_164, %sub3A_208] : memref<3x16xf32, #tpu.memory_space<vmem>>[vector<16xi32>, vector<16xi32>], vector<16xf32>,
      tpu.vector_store_idx %arg9[%add3A_159, %broadcast_in_dim3A_205], %gather3A_209 : memref<128x272xf32, #tpu.memory_space<vmem>>[vector<16xi32>, vector<16xi32>], vector<16xf32>,
      %broadcast_in_dim3A_210 = arith.constant 264 : i32
      %broadcast_in_dim3A_211 = vector.broadcast %broadcast_in_dim3A_210 : i32 to vector<16xi32>
      %sub3A_212 = arith.constant 256 : i32
      %sub3A_213 = vector.broadcast %sub3A_212 : i32 to vector<16xi32>
      %sub3A_214 = arith.subi %broadcast_in_dim3A_211, %sub3A_213 : vector<16xi32>
      %gather3A_215 = tpu.vector_load_idx %arg7[%get3A_164, %sub3A_214] : memref<3x16xf32, #tpu.memory_space<vmem>>[vector<16xi32>, vector<16xi32>], vector<16xf32>,
      tpu.vector_store_idx %arg9[%add3A_159, %broadcast_in_dim3A_211], %gather3A_215 : memref<128x272xf32, #tpu.memory_space<vmem>>[vector<16xi32>, vector<16xi32>], vector<16xf32>,
      %broadcast_in_dim3A_216 = arith.constant 265 : i32
      %broadcast_in_dim3A_217 = vector.broadcast %broadcast_in_dim3A_216 : i32 to vector<16xi32>
      %sub3A_218 = arith.constant 256 : i32
      %sub3A_219 = vector.broadcast %sub3A_218 : i32 to vector<16xi32>
      %sub3A_220 = arith.subi %broadcast_in_dim3A_217, %sub3A_219 : vector<16xi32>
      %gather3A_221 = tpu.vector_load_idx %arg7[%get3A_164, %sub3A_220] : memref<3x16xf32, #tpu.memory_space<vmem>>[vector<16xi32>, vector<16xi32>], vector<16xf32>,
      tpu.vector_store_idx %arg9[%add3A_159, %broadcast_in_dim3A_217], %gather3A_221 : memref<128x272xf32, #tpu.memory_space<vmem>>[vector<16xi32>, vector<16xi32>], vector<16xf32>,
      %broadcast_in_dim3A_222 = arith.constant 266 : i32
      %broadcast_in_dim3A_223 = vector.broadcast %broadcast_in_dim3A_222 : i32 to vector<16xi32>
      %sub3A_224 = arith.constant 256 : i32
      %sub3A_225 = vector.broadcast %sub3A_224 : i32 to vector<16xi32>
      %sub3A_226 = arith.subi %broadcast_in_dim3A_223, %sub3A_225 : vector<16xi32>
      %gather3A_227 = tpu.vector_load_idx %arg7[%get3A_164, %sub3A_226] : memref<3x16xf32, #tpu.memory_space<vmem>>[vector<16xi32>, vector<16xi32>], vector<16xf32>,
      tpu.vector_store_idx %arg9[%add3A_159, %broadcast_in_dim3A_223], %gather3A_227 : memref<128x272xf32, #tpu.memory_space<vmem>>[vector<16xi32>, vector<16xi32>], vector<16xf32>,
      %broadcast_in_dim3A_228 = arith.constant 267 : i32
      %broadcast_in_dim3A_229 = vector.broadcast %broadcast_in_dim3A_228 : i32 to vector<16xi32>
      %sub3A_230 = arith.constant 256 : i32
      %sub3A_231 = vector.broadcast %sub3A_230 : i32 to vector<16xi32>
      %sub3A_232 = arith.subi %broadcast_in_dim3A_229, %sub3A_231 : vector<16xi32>
      %gather3A_233 = tpu.vector_load_idx %arg7[%get3A_164, %sub3A_232] : memref<3x16xf32, #tpu.memory_space<vmem>>[vector<16xi32>, vector<16xi32>], vector<16xf32>,
      tpu.vector_store_idx %arg9[%add3A_159, %broadcast_in_dim3A_229], %gather3A_233 : memref<128x272xf32, #tpu.memory_space<vmem>>[vector<16xi32>, vector<16xi32>], vector<16xf32>,
      %broadcast_in_dim3A_234 = arith.constant 268 : i32
      %broadcast_in_dim3A_235 = vector.broadcast %broadcast_in_dim3A_234 : i32 to vector<16xi32>
      %sub3A_236 = arith.constant 256 : i32
      %sub3A_237 = vector.broadcast %sub3A_236 : i32 to vector<16xi32>
      %sub3A_238 = arith.subi %broadcast_in_dim3A_235, %sub3A_237 : vector<16xi32>
      %gather3A_239 = tpu.vector_load_idx %arg7[%get3A_164, %sub3A_238] : memref<3x16xf32, #tpu.memory_space<vmem>>[vector<16xi32>, vector<16xi32>], vector<16xf32>,
      tpu.vector_store_idx %arg9[%add3A_159, %broadcast_in_dim3A_235], %gather3A_239 : memref<128x272xf32, #tpu.memory_space<vmem>>[vector<16xi32>, vector<16xi32>], vector<16xf32>,
      %broadcast_in_dim3A_240 = arith.constant 269 : i32
      %broadcast_in_dim3A_241 = vector.broadcast %broadcast_in_dim3A_240 : i32 to vector<16xi32>
      %sub3A_242 = arith.constant 256 : i32
      %sub3A_243 = vector.broadcast %sub3A_242 : i32 to vector<16xi32>
      %sub3A_244 = arith.subi %broadcast_in_dim3A_241, %sub3A_243 : vector<16xi32>
      %gather3A_245 = tpu.vector_load_idx %arg7[%get3A_164, %sub3A_244] : memref<3x16xf32, #tpu.memory_space<vmem>>[vector<16xi32>, vector<16xi32>], vector<16xf32>,
      tpu.vector_store_idx %arg9[%add3A_159, %broadcast_in_dim3A_241], %gather3A_245 : memref<128x272xf32, #tpu.memory_space<vmem>>[vector<16xi32>, vector<16xi32>], vector<16xf32>,
      %broadcast_in_dim3A_246 = arith.constant 270 : i32
      %broadcast_in_dim3A_247 = vector.broadcast %broadcast_in_dim3A_246 : i32 to vector<16xi32>
      %sub3A_248 = arith.constant 256 : i32
      %sub3A_249 = vector.broadcast %sub3A_248 : i32 to vector<16xi32>
      %sub3A_250 = arith.subi %broadcast_in_dim3A_247, %sub3A_249 : vector<16xi32>
      %gather3A_251 = tpu.vector_load_idx %arg7[%get3A_164, %sub3A_250] : memref<3x16xf32, #tpu.memory_space<vmem>>[vector<16xi32>, vector<16xi32>], vector<16xf32>,
      tpu.vector_store_idx %arg9[%add3A_159, %broadcast_in_dim3A_247], %gather3A_251 : memref<128x272xf32, #tpu.memory_space<vmem>>[vector<16xi32>, vector<16xi32>], vector<16xf32>,
      %broadcast_in_dim3A_252 = arith.constant 271 : i32
      %broadcast_in_dim3A_253 = vector.broadcast %broadcast_in_dim3A_252 : i32 to vector<16xi32>
      %sub3A_254 = arith.constant 256 : i32
      %sub3A_255 = vector.broadcast %sub3A_254 : i32 to vector<16xi32>
      %sub3A_256 = arith.subi %broadcast_in_dim3A_253, %sub3A_255 : vector<16xi32>
      %gather3A_257 = tpu.vector_load_idx %arg7[%get3A_164, %sub3A_256] : memref<3x16xf32, #tpu.memory_space<vmem>>[vector<16xi32>, vector<16xi32>], vector<16xf32>,
      tpu.vector_store_idx %arg9[%add3A_159, %broadcast_in_dim3A_253], %gather3A_257 : memref<128x272xf32, #tpu.memory_space<vmem>>[vector<16xi32>, vector<16xi32>], vector<16xf32>,
      %scan3A_258 = arith.constant 0 : i32
      scf.yield %scan3A_258 : i32
    }
    %scan3A_67 = arith.constant 8 : i32
    %dma_wait3A_68 = arith.constant 0 : i32
    %dma_wait3A_69 = arith.constant 0 : i32
    %dma_wait3A_70 = tpu.memref_slice %arg9[%dma_wait3A_68, %dma_wait3A_69] : memref<128x272xf32, #tpu.memory_space<vmem>> -> memref<128x256xf32, #tpu.memory_space<vmem>>
    %dma_wait3A_71 = arith.constant 0 : i32
    %dma_wait3A_72 = tpu.memref_slice %arg2[%add3A_13, %dma_wait3A_71] : memref<16384x256xf32, #tpu.memory_space<hbm>> -> memref<128x256xf32, #tpu.memory_space<hbm>>
    %dma_wait3A_73 = arith.constant 0 : i32
    %dma_wait3A_74 = arith.constant 0 : i32
    %dma_wait3A_75 = tpu.memref_slice %arg9[%dma_wait3A_73, %dma_wait3A_74] : memref<128x272xf32, #tpu.memory_space<vmem>> -> memref<128x256xf32, #tpu.memory_space<vmem>>
    %dma_wait3A_76 = arith.constant 0 : i32
    %dma_wait3A_77 = tpu.memref_slice %arg2[%add3A_13, %dma_wait3A_76] : memref<16384x256xf32, #tpu.memory_space<hbm>> -> memref<128x256xf32, #tpu.memory_space<hbm>>
    tpu.wait_dma2 semaphore(%arg11 : memref<!tpu.dma_semaphore, #tpu.memory_space<semaphore_mem>>) src(%dma_wait3A_77 : memref<128x256xf32, #tpu.memory_space<hbm>>) dst(%dma_wait3A_75 : memref<128x256xf32, #tpu.memory_space<vmem>>)
    %add3A_78 = arith.constant 128 : i32
    %add3A_79 = arith.addi %mul3A_2, %add3A_78 : i32
    %dma_start3A_80 = arith.constant 0 : i32
    %dma_start3A_81 = tpu.memref_slice %arg5[%add3A_79, %dma_start3A_80] : memref<16384x272xf32, #tpu.memory_space<hbm>> -> memref<128x272xf32, #tpu.memory_space<hbm>>
    %dma_start3A_82 = arith.constant 0 : i32
    %dma_start3A_83 = tpu.memref_slice %arg5[%add3A_79, %dma_start3A_82] : memref<16384x272xf32, #tpu.memory_space<hbm>> -> memref<128x272xf32, #tpu.memory_space<hbm>>
    tpu.enqueue_dma source(%arg9 : memref<128x272xf32, #tpu.memory_space<vmem>>) target(%dma_start3A_83 : memref<128x272xf32, #tpu.memory_space<hbm>>) target_semaphore(%arg13 : memref<!tpu.dma_semaphore, #tpu.memory_space<semaphore_mem>>)
    %dma_wait3A_84 = arith.constant 0 : i32
    %dma_wait3A_85 = tpu.memref_slice %arg5[%add3A_79, %dma_wait3A_84] : memref<16384x272xf32, #tpu.memory_space<hbm>> -> memref<128x272xf32, #tpu.memory_space<hbm>>
    %dma_wait3A_86 = arith.constant 0 : i32
    %dma_wait3A_87 = tpu.memref_slice %arg5[%add3A_79, %dma_wait3A_86] : memref<16384x272xf32, #tpu.memory_space<hbm>> -> memref<128x272xf32, #tpu.memory_space<hbm>>
    tpu.wait_dma2 semaphore(%arg13 : memref<!tpu.dma_semaphore, #tpu.memory_space<semaphore_mem>>) src(%arg9 : memref<128x272xf32, #tpu.memory_space<vmem>>) dst(%dma_wait3A_87 : memref<128x272xf32, #tpu.memory_space<hbm>>)
    %add3A_88 = arith.constant 384 : i32
    %add3A_89 = arith.addi %mul3A_2, %add3A_88 : i32
    %dma_start3A_90 = arith.constant 0 : i32
    %dma_start3A_91 = arith.constant 0 : i32
    %dma_start3A_92 = tpu.memref_slice %arg9[%dma_start3A_90, %dma_start3A_91] : memref<128x272xf32, #tpu.memory_space<vmem>> -> memref<128x256xf32, #tpu.memory_space<vmem>>
    %dma_start3A_93 = arith.constant 0 : i32
    %dma_start3A_94 = tpu.memref_slice %arg2[%add3A_89, %dma_start3A_93] : memref<16384x256xf32, #tpu.memory_space<hbm>> -> memref<128x256xf32, #tpu.memory_space<hbm>>
    %dma_start3A_95 = arith.constant 0 : i32
    %dma_start3A_96 = arith.constant 0 : i32
    %dma_start3A_97 = tpu.memref_slice %arg9[%dma_start3A_95, %dma_start3A_96] : memref<128x272xf32, #tpu.memory_space<vmem>> -> memref<128x256xf32, #tpu.memory_space<vmem>>
    %dma_start3A_98 = arith.constant 0 : i32
    %dma_start3A_99 = tpu.memref_slice %arg2[%add3A_89, %dma_start3A_98] : memref<16384x256xf32, #tpu.memory_space<hbm>> -> memref<128x256xf32, #tpu.memory_space<hbm>>
    tpu.enqueue_dma source(%dma_start3A_99 : memref<128x256xf32, #tpu.memory_space<hbm>>) target(%dma_start3A_97 : memref<128x256xf32, #tpu.memory_space<vmem>>) target_semaphore(%arg11 : memref<!tpu.dma_semaphore, #tpu.memory_space<semaphore_mem>>)
    %scan3A_100 = arith.constant 0 : i32
    %scan3A_101 = arith.constant 0 : i32
    %scan3A_102 = arith.constant 8 : i32
    %scan3A_103 = arith.addi %scan3A_101, %scan3A_102 : i32
    %scan3A_104 = arith.constant 1 : i32
    %scan3A_105 = scf.for %scan3A_154 = %scan3A_101 to %scan3A_103 step %scan3A_104 iter_args(%scan3A_155 = %scan3A_100) -> (i32)  : i32 {
      %mul3A_156 = arith.constant 16 : i32
      %mul3A_157 = arith.muli %scan3A_154, %mul3A_156 : i32
      %add3A_158 = vector.broadcast %mul3A_157 : i32 to vector<16xi32>
      %add3A_159 = arith.addi %add3A_158, %iota3A : vector<16xi32>
      %mul3A_160 = arith.constant 16 : i32
      %mul3A_161 = arith.muli %scan3A_154, %mul3A_160 : i32
      %add3A_162 = arith.constant 256 : i32
      %add3A_163 = arith.addi %add3A_162, %mul3A_161 : i32
      %get3A = arith.index_cast %add3A_163 : i32 to index
      %get3A_164 = tpu.vector_load %arg6[%get3A] {strides = array<i32>} : memref<512xi32, #tpu.memory_space<vmem>>, vector<16xi32>,
      %broadcast_in_dim3A = arith.constant 256 : i32
      %broadcast_in_dim3A_165 = vector.broadcast %broadcast_in_dim3A : i32 to vector<16xi32>
      %sub3A = arith.constant 256 : i32
      %sub3A_166 = vector.broadcast %sub3A : i32 to vector<16xi32>
      %sub3A_167 = arith.subi %broadcast_in_dim3A_165, %sub3A_166 : vector<16xi32>
      %gather3A = tpu.vector_load_idx %arg7[%get3A_164, %sub3A_167] : memref<3x16xf32, #tpu.memory_space<vmem>>[vector<16xi32>, vector<16xi32>], vector<16xf32>,
      tpu.vector_store_idx %arg8[%add3A_159, %broadcast_in_dim3A_165], %gather3A : memref<128x272xf32, #tpu.memory_space<vmem>>[vector<16xi32>, vector<16xi32>], vector<16xf32>,
      %broadcast_in_dim3A_168 = arith.constant 257 : i32
      %broadcast_in_dim3A_169 = vector.broadcast %broadcast_in_dim3A_168 : i32 to vector<16xi32>
      %sub3A_170 = arith.constant 256 : i32
      %sub3A_171 = vector.broadcast %sub3A_170 : i32 to vector<16xi32>
      %sub3A_172 = arith.subi %broadcast_in_dim3A_169, %sub3A_171 : vector<16xi32>
      %gather3A_173 = tpu.vector_load_idx %arg7[%get3A_164, %sub3A_172] : memref<3x16xf32, #tpu.memory_space<vmem>>[vector<16xi32>, vector<16xi32>], vector<16xf32>,
      tpu.vector_store_idx %arg8[%add3A_159, %broadcast_in_dim3A_169], %gather3A_173 : memref<128x272xf32, #tpu.memory_space<vmem>>[vector<16xi32>, vector<16xi32>], vector<16xf32>,
      %broadcast_in_dim3A_174 = arith.constant 258 : i32
      %broadcast_in_dim3A_175 = vector.broadcast %broadcast_in_dim3A_174 : i32 to vector<16xi32>
      %sub3A_176 = arith.constant 256 : i32
      %sub3A_177 = vector.broadcast %sub3A_176 : i32 to vector<16xi32>
      %sub3A_178 = arith.subi %broadcast_in_dim3A_175, %sub3A_177 : vector<16xi32>
      %gather3A_179 = tpu.vector_load_idx %arg7[%get3A_164, %sub3A_178] : memref<3x16xf32, #tpu.memory_space<vmem>>[vector<16xi32>, vector<16xi32>], vector<16xf32>,
      tpu.vector_store_idx %arg8[%add3A_159, %broadcast_in_dim3A_175], %gather3A_179 : memref<128x272xf32, #tpu.memory_space<vmem>>[vector<16xi32>, vector<16xi32>], vector<16xf32>,
      %broadcast_in_dim3A_180 = arith.constant 259 : i32
      %broadcast_in_dim3A_181 = vector.broadcast %broadcast_in_dim3A_180 : i32 to vector<16xi32>
      %sub3A_182 = arith.constant 256 : i32
      %sub3A_183 = vector.broadcast %sub3A_182 : i32 to vector<16xi32>
      %sub3A_184 = arith.subi %broadcast_in_dim3A_181, %sub3A_183 : vector<16xi32>
      %gather3A_185 = tpu.vector_load_idx %arg7[%get3A_164, %sub3A_184] : memref<3x16xf32, #tpu.memory_space<vmem>>[vector<16xi32>, vector<16xi32>], vector<16xf32>,
      tpu.vector_store_idx %arg8[%add3A_159, %broadcast_in_dim3A_181], %gather3A_185 : memref<128x272xf32, #tpu.memory_space<vmem>>[vector<16xi32>, vector<16xi32>], vector<16xf32>,
      %broadcast_in_dim3A_186 = arith.constant 260 : i32
      %broadcast_in_dim3A_187 = vector.broadcast %broadcast_in_dim3A_186 : i32 to vector<16xi32>
      %sub3A_188 = arith.constant 256 : i32
      %sub3A_189 = vector.broadcast %sub3A_188 : i32 to vector<16xi32>
      %sub3A_190 = arith.subi %broadcast_in_dim3A_187, %sub3A_189 : vector<16xi32>
      %gather3A_191 = tpu.vector_load_idx %arg7[%get3A_164, %sub3A_190] : memref<3x16xf32, #tpu.memory_space<vmem>>[vector<16xi32>, vector<16xi32>], vector<16xf32>,
      tpu.vector_store_idx %arg8[%add3A_159, %broadcast_in_dim3A_187], %gather3A_191 : memref<128x272xf32, #tpu.memory_space<vmem>>[vector<16xi32>, vector<16xi32>], vector<16xf32>,
      %broadcast_in_dim3A_192 = arith.constant 261 : i32
      %broadcast_in_dim3A_193 = vector.broadcast %broadcast_in_dim3A_192 : i32 to vector<16xi32>
      %sub3A_194 = arith.constant 256 : i32
      %sub3A_195 = vector.broadcast %sub3A_194 : i32 to vector<16xi32>
      %sub3A_196 = arith.subi %broadcast_in_dim3A_193, %sub3A_195 : vector<16xi32>
      %gather3A_197 = tpu.vector_load_idx %arg7[%get3A_164, %sub3A_196] : memref<3x16xf32, #tpu.memory_space<vmem>>[vector<16xi32>, vector<16xi32>], vector<16xf32>,
      tpu.vector_store_idx %arg8[%add3A_159, %broadcast_in_dim3A_193], %gather3A_197 : memref<128x272xf32, #tpu.memory_space<vmem>>[vector<16xi32>, vector<16xi32>], vector<16xf32>,
      %broadcast_in_dim3A_198 = arith.constant 262 : i32
      %broadcast_in_dim3A_199 = vector.broadcast %broadcast_in_dim3A_198 : i32 to vector<16xi32>
      %sub3A_200 = arith.constant 256 : i32
      %sub3A_201 = vector.broadcast %sub3A_200 : i32 to vector<16xi32>
      %sub3A_202 = arith.subi %broadcast_in_dim3A_199, %sub3A_201 : vector<16xi32>
      %gather3A_203 = tpu.vector_load_idx %arg7[%get3A_164, %sub3A_202] : memref<3x16xf32, #tpu.memory_space<vmem>>[vector<16xi32>, vector<16xi32>], vector<16xf32>,
      tpu.vector_store_idx %arg8[%add3A_159, %broadcast_in_dim3A_199], %gather3A_203 : memref<128x272xf32, #tpu.memory_space<vmem>>[vector<16xi32>, vector<16xi32>], vector<16xf32>,
      %broadcast_in_dim3A_204 = arith.constant 263 : i32
      %broadcast_in_dim3A_205 = vector.broadcast %broadcast_in_dim3A_204 : i32 to vector<16xi32>
      %sub3A_206 = arith.constant 256 : i32
      %sub3A_207 = vector.broadcast %sub3A_206 : i32 to vector<16xi32>
      %sub3A_208 = arith.subi %broadcast_in_dim3A_205, %sub3A_207 : vector<16xi32>
      %gather3A_209 = tpu.vector_load_idx %arg7[%get3A_164, %sub3A_208] : memref<3x16xf32, #tpu.memory_space<vmem>>[vector<16xi32>, vector<16xi32>], vector<16xf32>,
      tpu.vector_store_idx %arg8[%add3A_159, %broadcast_in_dim3A_205], %gather3A_209 : memref<128x272xf32, #tpu.memory_space<vmem>>[vector<16xi32>, vector<16xi32>], vector<16xf32>,
      %broadcast_in_dim3A_210 = arith.constant 264 : i32
      %broadcast_in_dim3A_211 = vector.broadcast %broadcast_in_dim3A_210 : i32 to vector<16xi32>
      %sub3A_212 = arith.constant 256 : i32
      %sub3A_213 = vector.broadcast %sub3A_212 : i32 to vector<16xi32>
      %sub3A_214 = arith.subi %broadcast_in_dim3A_211, %sub3A_213 : vector<16xi32>
      %gather3A_215 = tpu.vector_load_idx %arg7[%get3A_164, %sub3A_214] : memref<3x16xf32, #tpu.memory_space<vmem>>[vector<16xi32>, vector<16xi32>], vector<16xf32>,
      tpu.vector_store_idx %arg8[%add3A_159, %broadcast_in_dim3A_211], %gather3A_215 : memref<128x272xf32, #tpu.memory_space<vmem>>[vector<16xi32>, vector<16xi32>], vector<16xf32>,
      %broadcast_in_dim3A_216 = arith.constant 265 : i32
      %broadcast_in_dim3A_217 = vector.broadcast %broadcast_in_dim3A_216 : i32 to vector<16xi32>
      %sub3A_218 = arith.constant 256 : i32
      %sub3A_219 = vector.broadcast %sub3A_218 : i32 to vector<16xi32>
      %sub3A_220 = arith.subi %broadcast_in_dim3A_217, %sub3A_219 : vector<16xi32>
      %gather3A_221 = tpu.vector_load_idx %arg7[%get3A_164, %sub3A_220] : memref<3x16xf32, #tpu.memory_space<vmem>>[vector<16xi32>, vector<16xi32>], vector<16xf32>,
      tpu.vector_store_idx %arg8[%add3A_159, %broadcast_in_dim3A_217], %gather3A_221 : memref<128x272xf32, #tpu.memory_space<vmem>>[vector<16xi32>, vector<16xi32>], vector<16xf32>,
      %broadcast_in_dim3A_222 = arith.constant 266 : i32
      %broadcast_in_dim3A_223 = vector.broadcast %broadcast_in_dim3A_222 : i32 to vector<16xi32>
      %sub3A_224 = arith.constant 256 : i32
      %sub3A_225 = vector.broadcast %sub3A_224 : i32 to vector<16xi32>
      %sub3A_226 = arith.subi %broadcast_in_dim3A_223, %sub3A_225 : vector<16xi32>
      %gather3A_227 = tpu.vector_load_idx %arg7[%get3A_164, %sub3A_226] : memref<3x16xf32, #tpu.memory_space<vmem>>[vector<16xi32>, vector<16xi32>], vector<16xf32>,
      tpu.vector_store_idx %arg8[%add3A_159, %broadcast_in_dim3A_223], %gather3A_227 : memref<128x272xf32, #tpu.memory_space<vmem>>[vector<16xi32>, vector<16xi32>], vector<16xf32>,
      %broadcast_in_dim3A_228 = arith.constant 267 : i32
      %broadcast_in_dim3A_229 = vector.broadcast %broadcast_in_dim3A_228 : i32 to vector<16xi32>
      %sub3A_230 = arith.constant 256 : i32
      %sub3A_231 = vector.broadcast %sub3A_230 : i32 to vector<16xi32>
      %sub3A_232 = arith.subi %broadcast_in_dim3A_229, %sub3A_231 : vector<16xi32>
      %gather3A_233 = tpu.vector_load_idx %arg7[%get3A_164, %sub3A_232] : memref<3x16xf32, #tpu.memory_space<vmem>>[vector<16xi32>, vector<16xi32>], vector<16xf32>,
      tpu.vector_store_idx %arg8[%add3A_159, %broadcast_in_dim3A_229], %gather3A_233 : memref<128x272xf32, #tpu.memory_space<vmem>>[vector<16xi32>, vector<16xi32>], vector<16xf32>,
      %broadcast_in_dim3A_234 = arith.constant 268 : i32
      %broadcast_in_dim3A_235 = vector.broadcast %broadcast_in_dim3A_234 : i32 to vector<16xi32>
      %sub3A_236 = arith.constant 256 : i32
      %sub3A_237 = vector.broadcast %sub3A_236 : i32 to vector<16xi32>
      %sub3A_238 = arith.subi %broadcast_in_dim3A_235, %sub3A_237 : vector<16xi32>
      %gather3A_239 = tpu.vector_load_idx %arg7[%get3A_164, %sub3A_238] : memref<3x16xf32, #tpu.memory_space<vmem>>[vector<16xi32>, vector<16xi32>], vector<16xf32>,
      tpu.vector_store_idx %arg8[%add3A_159, %broadcast_in_dim3A_235], %gather3A_239 : memref<128x272xf32, #tpu.memory_space<vmem>>[vector<16xi32>, vector<16xi32>], vector<16xf32>,
      %broadcast_in_dim3A_240 = arith.constant 269 : i32
      %broadcast_in_dim3A_241 = vector.broadcast %broadcast_in_dim3A_240 : i32 to vector<16xi32>
      %sub3A_242 = arith.constant 256 : i32
      %sub3A_243 = vector.broadcast %sub3A_242 : i32 to vector<16xi32>
      %sub3A_244 = arith.subi %broadcast_in_dim3A_241, %sub3A_243 : vector<16xi32>
      %gather3A_245 = tpu.vector_load_idx %arg7[%get3A_164, %sub3A_244] : memref<3x16xf32, #tpu.memory_space<vmem>>[vector<16xi32>, vector<16xi32>], vector<16xf32>,
      tpu.vector_store_idx %arg8[%add3A_159, %broadcast_in_dim3A_241], %gather3A_245 : memref<128x272xf32, #tpu.memory_space<vmem>>[vector<16xi32>, vector<16xi32>], vector<16xf32>,
      %broadcast_in_dim3A_246 = arith.constant 270 : i32
      %broadcast_in_dim3A_247 = vector.broadcast %broadcast_in_dim3A_246 : i32 to vector<16xi32>
      %sub3A_248 = arith.constant 256 : i32
      %sub3A_249 = vector.broadcast %sub3A_248 : i32 to vector<16xi32>
      %sub3A_250 = arith.subi %broadcast_in_dim3A_247, %sub3A_249 : vector<16xi32>
      %gather3A_251 = tpu.vector_load_idx %arg7[%get3A_164, %sub3A_250] : memref<3x16xf32, #tpu.memory_space<vmem>>[vector<16xi32>, vector<16xi32>], vector<16xf32>,
      tpu.vector_store_idx %arg8[%add3A_159, %broadcast_in_dim3A_247], %gather3A_251 : memref<128x272xf32, #tpu.memory_space<vmem>>[vector<16xi32>, vector<16xi32>], vector<16xf32>,
      %broadcast_in_dim3A_252 = arith.constant 271 : i32
      %broadcast_in_dim3A_253 = vector.broadcast %broadcast_in_dim3A_252 : i32 to vector<16xi32>
      %sub3A_254 = arith.constant 256 : i32
      %sub3A_255 = vector.broadcast %sub3A_254 : i32 to vector<16xi32>
      %sub3A_256 = arith.subi %broadcast_in_dim3A_253, %sub3A_255 : vector<16xi32>
      %gather3A_257 = tpu.vector_load_idx %arg7[%get3A_164, %sub3A_256] : memref<3x16xf32, #tpu.memory_space<vmem>>[vector<16xi32>, vector<16xi32>], vector<16xf32>,
      tpu.vector_store_idx %arg8[%add3A_159, %broadcast_in_dim3A_253], %gather3A_257 : memref<128x272xf32, #tpu.memory_space<vmem>>[vector<16xi32>, vector<16xi32>], vector<16xf32>,
      %scan3A_258 = arith.constant 0 : i32
      scf.yield %scan3A_258 : i32
    }
    %scan3A_106 = arith.constant 8 : i32
    %dma_wait3A_107 = arith.constant 0 : i32
    %dma_wait3A_108 = arith.constant 0 : i32
    %dma_wait3A_109 = tpu.memref_slice %arg8[%dma_wait3A_107, %dma_wait3A_108] : memref<128x272xf32, #tpu.memory_space<vmem>> -> memref<128x256xf32, #tpu.memory_space<vmem>>
    %dma_wait3A_110 = arith.constant 0 : i32
    %dma_wait3A_111 = tpu.memref_slice %arg2[%add3A_50, %dma_wait3A_110] : memref<16384x256xf32, #tpu.memory_space<hbm>> -> memref<128x256xf32, #tpu.memory_space<hbm>>
    %dma_wait3A_112 = arith.constant 0 : i32
    %dma_wait3A_113 = arith.constant 0 : i32
    %dma_wait3A_114 = tpu.memref_slice %arg8[%dma_wait3A_112, %dma_wait3A_113] : memref<128x272xf32, #tpu.memory_space<vmem>> -> memref<128x256xf32, #tpu.memory_space<vmem>>
    %dma_wait3A_115 = arith.constant 0 : i32
    %dma_wait3A_116 = tpu.memref_slice %arg2[%add3A_50, %dma_wait3A_115] : memref<16384x256xf32, #tpu.memory_space<hbm>> -> memref<128x256xf32, #tpu.memory_space<hbm>>
    tpu.wait_dma2 semaphore(%arg10 : memref<!tpu.dma_semaphore, #tpu.memory_space<semaphore_mem>>) src(%dma_wait3A_116 : memref<128x256xf32, #tpu.memory_space<hbm>>) dst(%dma_wait3A_114 : memref<128x256xf32, #tpu.memory_space<vmem>>)
    %add3A_117 = arith.constant 256 : i32
    %add3A_118 = arith.addi %mul3A_2, %add3A_117 : i32
    %dma_start3A_119 = arith.constant 0 : i32
    %dma_start3A_120 = tpu.memref_slice %arg5[%add3A_118, %dma_start3A_119] : memref<16384x272xf32, #tpu.memory_space<hbm>> -> memref<128x272xf32, #tpu.memory_space<hbm>>
    %dma_start3A_121 = arith.constant 0 : i32
    %dma_start3A_122 = tpu.memref_slice %arg5[%add3A_118, %dma_start3A_121] : memref<16384x272xf32, #tpu.memory_space<hbm>> -> memref<128x272xf32, #tpu.memory_space<hbm>>
    tpu.enqueue_dma source(%arg8 : memref<128x272xf32, #tpu.memory_space<vmem>>) target(%dma_start3A_122 : memref<128x272xf32, #tpu.memory_space<hbm>>) target_semaphore(%arg12 : memref<!tpu.dma_semaphore, #tpu.memory_space<semaphore_mem>>)
    %scan3A_123 = arith.constant 0 : i32
    %scan3A_124 = arith.constant 0 : i32
    %scan3A_125 = arith.constant 8 : i32
    %scan3A_126 = arith.addi %scan3A_124, %scan3A_125 : i32
    %scan3A_127 = arith.constant 1 : i32
    %scan3A_128 = scf.for %scan3A_154 = %scan3A_124 to %scan3A_126 step %scan3A_127 iter_args(%scan3A_155 = %scan3A_123) -> (i32)  : i32 {
      %mul3A_156 = arith.constant 16 : i32
      %mul3A_157 = arith.muli %scan3A_154, %mul3A_156 : i32
      %add3A_158 = vector.broadcast %mul3A_157 : i32 to vector<16xi32>
      %add3A_159 = arith.addi %add3A_158, %iota3A : vector<16xi32>
      %mul3A_160 = arith.constant 16 : i32
      %mul3A_161 = arith.muli %scan3A_154, %mul3A_160 : i32
      %add3A_162 = arith.constant 384 : i32
      %add3A_163 = arith.addi %add3A_162, %mul3A_161 : i32
      %get3A = arith.index_cast %add3A_163 : i32 to index
      %get3A_164 = tpu.vector_load %arg6[%get3A] {strides = array<i32>} : memref<512xi32, #tpu.memory_space<vmem>>, vector<16xi32>,
      %broadcast_in_dim3A = arith.constant 256 : i32
      %broadcast_in_dim3A_165 = vector.broadcast %broadcast_in_dim3A : i32 to vector<16xi32>
      %sub3A = arith.constant 256 : i32
      %sub3A_166 = vector.broadcast %sub3A : i32 to vector<16xi32>
      %sub3A_167 = arith.subi %broadcast_in_dim3A_165, %sub3A_166 : vector<16xi32>
      %gather3A = tpu.vector_load_idx %arg7[%get3A_164, %sub3A_167] : memref<3x16xf32, #tpu.memory_space<vmem>>[vector<16xi32>, vector<16xi32>], vector<16xf32>,
      tpu.vector_store_idx %arg9[%add3A_159, %broadcast_in_dim3A_165], %gather3A : memref<128x272xf32, #tpu.memory_space<vmem>>[vector<16xi32>, vector<16xi32>], vector<16xf32>,
      %broadcast_in_dim3A_168 = arith.constant 257 : i32
      %broadcast_in_dim3A_169 = vector.broadcast %broadcast_in_dim3A_168 : i32 to vector<16xi32>
      %sub3A_170 = arith.constant 256 : i32
      %sub3A_171 = vector.broadcast %sub3A_170 : i32 to vector<16xi32>
      %sub3A_172 = arith.subi %broadcast_in_dim3A_169, %sub3A_171 : vector<16xi32>
      %gather3A_173 = tpu.vector_load_idx %arg7[%get3A_164, %sub3A_172] : memref<3x16xf32, #tpu.memory_space<vmem>>[vector<16xi32>, vector<16xi32>], vector<16xf32>,
      tpu.vector_store_idx %arg9[%add3A_159, %broadcast_in_dim3A_169], %gather3A_173 : memref<128x272xf32, #tpu.memory_space<vmem>>[vector<16xi32>, vector<16xi32>], vector<16xf32>,
      %broadcast_in_dim3A_174 = arith.constant 258 : i32
      %broadcast_in_dim3A_175 = vector.broadcast %broadcast_in_dim3A_174 : i32 to vector<16xi32>
      %sub3A_176 = arith.constant 256 : i32
      %sub3A_177 = vector.broadcast %sub3A_176 : i32 to vector<16xi32>
      %sub3A_178 = arith.subi %broadcast_in_dim3A_175, %sub3A_177 : vector<16xi32>
      %gather3A_179 = tpu.vector_load_idx %arg7[%get3A_164, %sub3A_178] : memref<3x16xf32, #tpu.memory_space<vmem>>[vector<16xi32>, vector<16xi32>], vector<16xf32>,
      tpu.vector_store_idx %arg9[%add3A_159, %broadcast_in_dim3A_175], %gather3A_179 : memref<128x272xf32, #tpu.memory_space<vmem>>[vector<16xi32>, vector<16xi32>], vector<16xf32>,
      %broadcast_in_dim3A_180 = arith.constant 259 : i32
      %broadcast_in_dim3A_181 = vector.broadcast %broadcast_in_dim3A_180 : i32 to vector<16xi32>
      %sub3A_182 = arith.constant 256 : i32
      %sub3A_183 = vector.broadcast %sub3A_182 : i32 to vector<16xi32>
      %sub3A_184 = arith.subi %broadcast_in_dim3A_181, %sub3A_183 : vector<16xi32>
      %gather3A_185 = tpu.vector_load_idx %arg7[%get3A_164, %sub3A_184] : memref<3x16xf32, #tpu.memory_space<vmem>>[vector<16xi32>, vector<16xi32>], vector<16xf32>,
      tpu.vector_store_idx %arg9[%add3A_159, %broadcast_in_dim3A_181], %gather3A_185 : memref<128x272xf32, #tpu.memory_space<vmem>>[vector<16xi32>, vector<16xi32>], vector<16xf32>,
      %broadcast_in_dim3A_186 = arith.constant 260 : i32
      %broadcast_in_dim3A_187 = vector.broadcast %broadcast_in_dim3A_186 : i32 to vector<16xi32>
      %sub3A_188 = arith.constant 256 : i32
      %sub3A_189 = vector.broadcast %sub3A_188 : i32 to vector<16xi32>
      %sub3A_190 = arith.subi %broadcast_in_dim3A_187, %sub3A_189 : vector<16xi32>
      %gather3A_191 = tpu.vector_load_idx %arg7[%get3A_164, %sub3A_190] : memref<3x16xf32, #tpu.memory_space<vmem>>[vector<16xi32>, vector<16xi32>], vector<16xf32>,
      tpu.vector_store_idx %arg9[%add3A_159, %broadcast_in_dim3A_187], %gather3A_191 : memref<128x272xf32, #tpu.memory_space<vmem>>[vector<16xi32>, vector<16xi32>], vector<16xf32>,
      %broadcast_in_dim3A_192 = arith.constant 261 : i32
      %broadcast_in_dim3A_193 = vector.broadcast %broadcast_in_dim3A_192 : i32 to vector<16xi32>
      %sub3A_194 = arith.constant 256 : i32
      %sub3A_195 = vector.broadcast %sub3A_194 : i32 to vector<16xi32>
      %sub3A_196 = arith.subi %broadcast_in_dim3A_193, %sub3A_195 : vector<16xi32>
      %gather3A_197 = tpu.vector_load_idx %arg7[%get3A_164, %sub3A_196] : memref<3x16xf32, #tpu.memory_space<vmem>>[vector<16xi32>, vector<16xi32>], vector<16xf32>,
      tpu.vector_store_idx %arg9[%add3A_159, %broadcast_in_dim3A_193], %gather3A_197 : memref<128x272xf32, #tpu.memory_space<vmem>>[vector<16xi32>, vector<16xi32>], vector<16xf32>,
      %broadcast_in_dim3A_198 = arith.constant 262 : i32
      %broadcast_in_dim3A_199 = vector.broadcast %broadcast_in_dim3A_198 : i32 to vector<16xi32>
      %sub3A_200 = arith.constant 256 : i32
      %sub3A_201 = vector.broadcast %sub3A_200 : i32 to vector<16xi32>
      %sub3A_202 = arith.subi %broadcast_in_dim3A_199, %sub3A_201 : vector<16xi32>
      %gather3A_203 = tpu.vector_load_idx %arg7[%get3A_164, %sub3A_202] : memref<3x16xf32, #tpu.memory_space<vmem>>[vector<16xi32>, vector<16xi32>], vector<16xf32>,
      tpu.vector_store_idx %arg9[%add3A_159, %broadcast_in_dim3A_199], %gather3A_203 : memref<128x272xf32, #tpu.memory_space<vmem>>[vector<16xi32>, vector<16xi32>], vector<16xf32>,
      %broadcast_in_dim3A_204 = arith.constant 263 : i32
      %broadcast_in_dim3A_205 = vector.broadcast %broadcast_in_dim3A_204 : i32 to vector<16xi32>
      %sub3A_206 = arith.constant 256 : i32
      %sub3A_207 = vector.broadcast %sub3A_206 : i32 to vector<16xi32>
      %sub3A_208 = arith.subi %broadcast_in_dim3A_205, %sub3A_207 : vector<16xi32>
      %gather3A_209 = tpu.vector_load_idx %arg7[%get3A_164, %sub3A_208] : memref<3x16xf32, #tpu.memory_space<vmem>>[vector<16xi32>, vector<16xi32>], vector<16xf32>,
      tpu.vector_store_idx %arg9[%add3A_159, %broadcast_in_dim3A_205], %gather3A_209 : memref<128x272xf32, #tpu.memory_space<vmem>>[vector<16xi32>, vector<16xi32>], vector<16xf32>,
      %broadcast_in_dim3A_210 = arith.constant 264 : i32
      %broadcast_in_dim3A_211 = vector.broadcast %broadcast_in_dim3A_210 : i32 to vector<16xi32>
      %sub3A_212 = arith.constant 256 : i32
      %sub3A_213 = vector.broadcast %sub3A_212 : i32 to vector<16xi32>
      %sub3A_214 = arith.subi %broadcast_in_dim3A_211, %sub3A_213 : vector<16xi32>
      %gather3A_215 = tpu.vector_load_idx %arg7[%get3A_164, %sub3A_214] : memref<3x16xf32, #tpu.memory_space<vmem>>[vector<16xi32>, vector<16xi32>], vector<16xf32>,
      tpu.vector_store_idx %arg9[%add3A_159, %broadcast_in_dim3A_211], %gather3A_215 : memref<128x272xf32, #tpu.memory_space<vmem>>[vector<16xi32>, vector<16xi32>], vector<16xf32>,
      %broadcast_in_dim3A_216 = arith.constant 265 : i32
      %broadcast_in_dim3A_217 = vector.broadcast %broadcast_in_dim3A_216 : i32 to vector<16xi32>
      %sub3A_218 = arith.constant 256 : i32
      %sub3A_219 = vector.broadcast %sub3A_218 : i32 to vector<16xi32>
      %sub3A_220 = arith.subi %broadcast_in_dim3A_217, %sub3A_219 : vector<16xi32>
      %gather3A_221 = tpu.vector_load_idx %arg7[%get3A_164, %sub3A_220] : memref<3x16xf32, #tpu.memory_space<vmem>>[vector<16xi32>, vector<16xi32>], vector<16xf32>,
      tpu.vector_store_idx %arg9[%add3A_159, %broadcast_in_dim3A_217], %gather3A_221 : memref<128x272xf32, #tpu.memory_space<vmem>>[vector<16xi32>, vector<16xi32>], vector<16xf32>,
      %broadcast_in_dim3A_222 = arith.constant 266 : i32
      %broadcast_in_dim3A_223 = vector.broadcast %broadcast_in_dim3A_222 : i32 to vector<16xi32>
      %sub3A_224 = arith.constant 256 : i32
      %sub3A_225 = vector.broadcast %sub3A_224 : i32 to vector<16xi32>
      %sub3A_226 = arith.subi %broadcast_in_dim3A_223, %sub3A_225 : vector<16xi32>
      %gather3A_227 = tpu.vector_load_idx %arg7[%get3A_164, %sub3A_226] : memref<3x16xf32, #tpu.memory_space<vmem>>[vector<16xi32>, vector<16xi32>], vector<16xf32>,
      tpu.vector_store_idx %arg9[%add3A_159, %broadcast_in_dim3A_223], %gather3A_227 : memref<128x272xf32, #tpu.memory_space<vmem>>[vector<16xi32>, vector<16xi32>], vector<16xf32>,
      %broadcast_in_dim3A_228 = arith.constant 267 : i32
      %broadcast_in_dim3A_229 = vector.broadcast %broadcast_in_dim3A_228 : i32 to vector<16xi32>
      %sub3A_230 = arith.constant 256 : i32
      %sub3A_231 = vector.broadcast %sub3A_230 : i32 to vector<16xi32>
      %sub3A_232 = arith.subi %broadcast_in_dim3A_229, %sub3A_231 : vector<16xi32>
      %gather3A_233 = tpu.vector_load_idx %arg7[%get3A_164, %sub3A_232] : memref<3x16xf32, #tpu.memory_space<vmem>>[vector<16xi32>, vector<16xi32>], vector<16xf32>,
      tpu.vector_store_idx %arg9[%add3A_159, %broadcast_in_dim3A_229], %gather3A_233 : memref<128x272xf32, #tpu.memory_space<vmem>>[vector<16xi32>, vector<16xi32>], vector<16xf32>,
      %broadcast_in_dim3A_234 = arith.constant 268 : i32
      %broadcast_in_dim3A_235 = vector.broadcast %broadcast_in_dim3A_234 : i32 to vector<16xi32>
      %sub3A_236 = arith.constant 256 : i32
      %sub3A_237 = vector.broadcast %sub3A_236 : i32 to vector<16xi32>
      %sub3A_238 = arith.subi %broadcast_in_dim3A_235, %sub3A_237 : vector<16xi32>
      %gather3A_239 = tpu.vector_load_idx %arg7[%get3A_164, %sub3A_238] : memref<3x16xf32, #tpu.memory_space<vmem>>[vector<16xi32>, vector<16xi32>], vector<16xf32>,
      tpu.vector_store_idx %arg9[%add3A_159, %broadcast_in_dim3A_235], %gather3A_239 : memref<128x272xf32, #tpu.memory_space<vmem>>[vector<16xi32>, vector<16xi32>], vector<16xf32>,
      %broadcast_in_dim3A_240 = arith.constant 269 : i32
      %broadcast_in_dim3A_241 = vector.broadcast %broadcast_in_dim3A_240 : i32 to vector<16xi32>
      %sub3A_242 = arith.constant 256 : i32
      %sub3A_243 = vector.broadcast %sub3A_242 : i32 to vector<16xi32>
      %sub3A_244 = arith.subi %broadcast_in_dim3A_241, %sub3A_243 : vector<16xi32>
      %gather3A_245 = tpu.vector_load_idx %arg7[%get3A_164, %sub3A_244] : memref<3x16xf32, #tpu.memory_space<vmem>>[vector<16xi32>, vector<16xi32>], vector<16xf32>,
      tpu.vector_store_idx %arg9[%add3A_159, %broadcast_in_dim3A_241], %gather3A_245 : memref<128x272xf32, #tpu.memory_space<vmem>>[vector<16xi32>, vector<16xi32>], vector<16xf32>,
      %broadcast_in_dim3A_246 = arith.constant 270 : i32
      %broadcast_in_dim3A_247 = vector.broadcast %broadcast_in_dim3A_246 : i32 to vector<16xi32>
      %sub3A_248 = arith.constant 256 : i32
      %sub3A_249 = vector.broadcast %sub3A_248 : i32 to vector<16xi32>
      %sub3A_250 = arith.subi %broadcast_in_dim3A_247, %sub3A_249 : vector<16xi32>
      %gather3A_251 = tpu.vector_load_idx %arg7[%get3A_164, %sub3A_250] : memref<3x16xf32, #tpu.memory_space<vmem>>[vector<16xi32>, vector<16xi32>], vector<16xf32>,
      tpu.vector_store_idx %arg9[%add3A_159, %broadcast_in_dim3A_247], %gather3A_251 : memref<128x272xf32, #tpu.memory_space<vmem>>[vector<16xi32>, vector<16xi32>], vector<16xf32>,
      %broadcast_in_dim3A_252 = arith.constant 271 : i32
      %broadcast_in_dim3A_253 = vector.broadcast %broadcast_in_dim3A_252 : i32 to vector<16xi32>
      %sub3A_254 = arith.constant 256 : i32
      %sub3A_255 = vector.broadcast %sub3A_254 : i32 to vector<16xi32>
      %sub3A_256 = arith.subi %broadcast_in_dim3A_253, %sub3A_255 : vector<16xi32>
      %gather3A_257 = tpu.vector_load_idx %arg7[%get3A_164, %sub3A_256] : memref<3x16xf32, #tpu.memory_space<vmem>>[vector<16xi32>, vector<16xi32>], vector<16xf32>,
      tpu.vector_store_idx %arg9[%add3A_159, %broadcast_in_dim3A_253], %gather3A_257 : memref<128x272xf32, #tpu.memory_space<vmem>>[vector<16xi32>, vector<16xi32>], vector<16xf32>,
      %scan3A_258 = arith.constant 0 : i32
      scf.yield %scan3A_258 : i32
    }
    %scan3A_129 = arith.constant 8 : i32
    %dma_wait3A_130 = arith.constant 0 : i32
    %dma_wait3A_131 = arith.constant 0 : i32
    %dma_wait3A_132 = tpu.memref_slice %arg9[%dma_wait3A_130, %dma_wait3A_131] : memref<128x272xf32, #tpu.memory_space<vmem>> -> memref<128x256xf32, #tpu.memory_space<vmem>>
    %dma_wait3A_133 = arith.constant 0 : i32
    %dma_wait3A_134 = tpu.memref_slice %arg2[%add3A_89, %dma_wait3A_133] : memref<16384x256xf32, #tpu.memory_space<hbm>> -> memref<128x256xf32, #tpu.memory_space<hbm>>
    %dma_wait3A_135 = arith.constant 0 : i32
    %dma_wait3A_136 = arith.constant 0 : i32
    %dma_wait3A_137 = tpu.memref_slice %arg9[%dma_wait3A_135, %dma_wait3A_136] : memref<128x272xf32, #tpu.memory_space<vmem>> -> memref<128x256xf32, #tpu.memory_space<vmem>>
    %dma_wait3A_138 = arith.constant 0 : i32
    %dma_wait3A_139 = tpu.memref_slice %arg2[%add3A_89, %dma_wait3A_138] : memref<16384x256xf32, #tpu.memory_space<hbm>> -> memref<128x256xf32, #tpu.memory_space<hbm>>
    tpu.wait_dma2 semaphore(%arg11 : memref<!tpu.dma_semaphore, #tpu.memory_space<semaphore_mem>>) src(%dma_wait3A_139 : memref<128x256xf32, #tpu.memory_space<hbm>>) dst(%dma_wait3A_137 : memref<128x256xf32, #tpu.memory_space<vmem>>)
    %add3A_140 = arith.constant 384 : i32
    %add3A_141 = arith.addi %mul3A_2, %add3A_140 : i32
    %dma_start3A_142 = arith.constant 0 : i32
    %dma_start3A_143 = tpu.memref_slice %arg5[%add3A_141, %dma_start3A_142] : memref<16384x272xf32, #tpu.memory_space<hbm>> -> memref<128x272xf32, #tpu.memory_space<hbm>>
    %dma_start3A_144 = arith.constant 0 : i32
    %dma_start3A_145 = tpu.memref_slice %arg5[%add3A_141, %dma_start3A_144] : memref<16384x272xf32, #tpu.memory_space<hbm>> -> memref<128x272xf32, #tpu.memory_space<hbm>>
    tpu.enqueue_dma source(%arg9 : memref<128x272xf32, #tpu.memory_space<vmem>>) target(%dma_start3A_145 : memref<128x272xf32, #tpu.memory_space<hbm>>) target_semaphore(%arg13 : memref<!tpu.dma_semaphore, #tpu.memory_space<semaphore_mem>>)
    %dma_wait3A_146 = arith.constant 0 : i32
    %dma_wait3A_147 = tpu.memref_slice %arg5[%add3A_118, %dma_wait3A_146] : memref<16384x272xf32, #tpu.memory_space<hbm>> -> memref<128x272xf32, #tpu.memory_space<hbm>>
    %dma_wait3A_148 = arith.constant 0 : i32
    %dma_wait3A_149 = tpu.memref_slice %arg5[%add3A_118, %dma_wait3A_148] : memref<16384x272xf32, #tpu.memory_space<hbm>> -> memref<128x272xf32, #tpu.memory_space<hbm>>
    tpu.wait_dma2 semaphore(%arg12 : memref<!tpu.dma_semaphore, #tpu.memory_space<semaphore_mem>>) src(%arg8 : memref<128x272xf32, #tpu.memory_space<vmem>>) dst(%dma_wait3A_149 : memref<128x272xf32, #tpu.memory_space<hbm>>)
    %dma_wait3A_150 = arith.constant 0 : i32
    %dma_wait3A_151 = tpu.memref_slice %arg5[%add3A_141, %dma_wait3A_150] : memref<16384x272xf32, #tpu.memory_space<hbm>> -> memref<128x272xf32, #tpu.memory_space<hbm>>
    %dma_wait3A_152 = arith.constant 0 : i32
    %dma_wait3A_153 = tpu.memref_slice %arg5[%add3A_141, %dma_wait3A_152] : memref<16384x272xf32, #tpu.memory_space<hbm>> -> memref<128x272xf32, #tpu.memory_space<hbm>>
    tpu.wait_dma2 semaphore(%arg13 : memref<!tpu.dma_semaphore, #tpu.memory_space<semaphore_mem>>) src(%arg9 : memref<128x272xf32, #tpu.memory_space<vmem>>) dst(%dma_wait3A_153 : memref<128x272xf32, #tpu.memory_space<hbm>>)
    return
  }
}

</mosaic_0001>

<sc_bundles>
// kernel: kernel.3.cloned.1.call-start
scs
__scs_entry_jumppad:
0x0: {  	(pc) =	sbr.rel $0x88, $3  }
0x1: {  	(tag) =	ssettag $0x0;
	lr =	simm.s32 $0x1  }
0x2: {  	[smem:$0x3F9E] =	sst lr;
	_ =	strace $0xD0000000  }
0x3: {  	_ = 	snop  }
0x4: {  	_ = 	snop  }
0x5: {  	_ = 	snop  }
0x6: {  	_ = 	snop  }
0x7: {  	_ = 	snop  }
__scs_overlays_trampoline_lowered:
0x8: {  	[smem:$0x3FAD] =	sst s0  }
0x9: {  	[smem:$0x3FAE] =	sst s1  }
0xa: {  	[smem:$0x3FAF] =	sst s2  }
0xb: {  	[smem:$0x3FB0] =	sst s3  }
0xc: {  	[smem:$0x3FB1] =	sst s4  }
0xd: {  	[smem:$0x3FB2] =	sst s5  }
0xe: {  	[smem:$0x3FB3] =	sst s6  }
0xf: {  	[smem:$0x3FB4] =	sst s7  }
0x10: {  	[smem:$0x3FB5] =	sst s8  }
0x11: {  	[smem:$0x3FB6] =	sst s9;
	s0 =	simm.s32 @!p0 $0x0  }
0x12: {  	s1 =	sld [smem:$0x3F9C];
	s0 =	simm.s32 @p0 $0x1  }
0x13: {  	[smem:$0x3FB7] =	sst s0;
	s0 =	simm.s32 @!p1 $0x0  }
0x14: {  	s2 =	sld [smem:$0x3F9B];
	s0 =	simm.s32 @p1 $0x1  }
0x15: {  	[smem:$0x3FB8] =	sst s0;
	s0 =	simm.s32 @!p2 $0x0  }
0x16: {  	s3 =	sld [smem:$0x3FDB];
	s0 =	simm.s32 @p2 $0x1  }
0x17: {  	s4 =	simm.s32 $0x1BF5;
	[smem:$0x3FBA] =	sst s0  }
0x18: {  	s0 =	sld [smem:$0x3F9D];
	_ =	swait.ge [sflag:s4], $0x0  }
0x19: {  	s7 =	sld [smem:$0x3F9E]  }
0x1a: {  	s8 =	sadd.s32 $0xFFFFE003, lr  }
0x1b: {  	s9 =	sadd.s32 $0xFFFFFEF7, lr;
	s5 =	simm.s32 $0xFFFFFFFF;
	p2 =	slt.u32 s8, $0xFFFFF086  }
0x1c: {  	p1 =	slt.u32 s9, $0xF7A;
	s5 =	simm.s32 @!p2 $0x0  }
0x1d: {  	s5 =	simm.s32 @p1 $0x1;
	p0 =	seq.s32 s7, s2  }
0x1e: {  	s7 =	smul.u32 @!p0 $0xF7A, s2;
	p2 =	seq.s32 @!p0 s5, $0x0  }
0x1f: {  	s9 =	smul.u32 $0xF7A, s1;
	s8 =	simm.s32 @!p0 $0x1BF5;
	p2 =	por !p2, p0  }
0x20: {  	[sflag:s8] =	ssyncset.s32 @!p0 $0xFFFFF086;
	s6 =	sadd.s32 @!p0 s3, s7;
	s7 =	simm.s32 @!p0 $0x108  }
0x21: {  	s3 =	sadd.s32 s3, s9;
	s6 =	sadd.s32 @!p0 $0x88, s6;
	s7 =	simm.s32 @p2 $0x1082  }
0x22: {  	[simem:s7], [sflag:s8] =	dma.local @!p0 [hbm:s6], $0xF7A  }
0x23: {  	s9 =	sor.u32 $0xD0000000, s2;
	s6 =	simm.s32 $0x108;
	_ =	swait.ge @!p0 [sflag:s8], $0x0  }
0x24: {  	s3 =	sadd.s32 $0x88, s3;
	s6 =	simm.s32 @!p1 $0x1082;
	[sflag:s4] =	ssyncset.s32 $0xFFFFF086  }
0x25: {  	[simem:s6], [sflag:s4] =	dma.local [hbm:s3], $0xF7A  }
0x26: {  	[smem:$0x3F9E] =	sst s1;
	(tag) =	ssettag s2;
	_ =	strace s9  }
0x27: {  	s1 =	sld [smem:$0x3FAE]  }
0x28: {  	s2 =	sld [smem:$0x3FAF]  }
0x29: {  	s4 =	sld [smem:$0x3FB1]  }
0x2a: {  	p0 =	seq.s32 s5, $0x0;
	s5 =	sld [smem:$0x3FB2]  }
0x2b: {  	s6 =	sld [smem:$0x3FB3]  }
0x2c: {  	s7 =	sld [smem:$0x3FB4]  }
0x2d: {  	s3 =	simm.s32 $0x108;
	s8 =	sld [smem:$0x3FB5]  }
0x2e: {  	s3 =	simm.s32 @!p0 $0x1082;
	s9 =	sld [smem:$0x3FB6]  }
0x2f: {  	lr =	sadd.s32 s0, s3;
	s0 =	sld [smem:$0x3FAD]  }
0x30: {  	s3 =	sld [smem:$0x3FB0]  }
0x31: {  	[smem:$0x3FB9] =	sst s10  }
0x32: {  	s10 =	sld [smem:$0x3FB7];
	_ =	sdelay $0x3  }
0x33: {  	p0 =	seq.s32 s10, $0x1;
	s10 =	sld [smem:$0x3FB9];
	_ =	sdelay $0x3  }
0x34: {  	[smem:$0x3FB9] =	sst s10  }
0x35: {  	s10 =	sld [smem:$0x3FB8];
	_ =	sdelay $0x3  }
0x36: {  	p1 =	seq.s32 s10, $0x1;
	s10 =	sld [smem:$0x3FB9];
	_ =	sdelay $0x3  }
0x37: {  	[smem:$0x3FB9] =	sst s10  }
0x38: {  	s10 =	sld [smem:$0x3FBA]  }
0x39: {  	_ = 	snop;
	(pc) =	sbr.ind lr, $3  }
0x3a: {  	_ = 	snop  }
0x3b: {  	_ = 	snop  }
0x3c: {  	p2 =	seq.s32 s10, $0x1;
	s10 =	sld [smem:$0x3FB9]  }
0x3d: {  	_ =	shalt  }
0x3e: {  	_ =	shalt  }
0x3f: {  	_ =	shalt  }
0x40: {  	_ =	shalt  }
0x41: {  	_ =	shalt  }
0x42: {  	_ =	shalt  }
0x43: {  	_ =	shalt  }
0x44: {  	_ =	shalt  }
0x45: {  	_ =	shalt  }
0x46: {  	_ =	shalt  }
0x47: {  	_ =	shalt  }
0x48: {  	_ =	shalt  }
0x49: {  	_ =	shalt  }
0x4a: {  	_ =	shalt  }
0x4b: {  	_ =	shalt  }
0x4c: {  	_ =	shalt  }
0x4d: {  	_ =	shalt  }
0x4e: {  	_ =	shalt  }
0x4f: {  	_ =	shalt  }
0x50: {  	_ =	shalt  }
0x51: {  	_ =	shalt  }
0x52: {  	_ =	shalt  }
0x53: {  	_ =	shalt  }
0x54: {  	_ =	shalt  }
0x55: {  	_ =	shalt  }
0x56: {  	_ =	shalt  }
0x57: {  	_ =	shalt  }
0x58: {  	_ =	shalt  }
0x59: {  	_ =	shalt  }
0x5a: {  	_ =	shalt  }
0x5b: {  	_ =	shalt  }
0x5c: {  	_ =	shalt  }
0x5d: {  	_ =	shalt  }
0x5e: {  	_ =	shalt  }
0x5f: {  	_ =	shalt  }
0x60: {  	_ =	shalt  }
0x61: {  	_ =	shalt  }
0x62: {  	_ =	shalt  }
0x63: {  	_ =	shalt  }
0x64: {  	_ =	shalt  }
0x65: {  	_ =	shalt  }
0x66: {  	_ =	shalt  }
0x67: {  	_ =	shalt  }
0x68: {  	_ =	shalt  }
0x69: {  	_ =	shalt  }
0x6a: {  	_ =	shalt  }
0x6b: {  	_ =	shalt  }
0x6c: {  	_ =	shalt  }
0x6d: {  	_ =	shalt  }
0x6e: {  	_ =	shalt  }
0x6f: {  	_ =	shalt  }
0x70: {  	_ =	shalt  }
0x71: {  	_ =	shalt  }
0x72: {  	_ =	shalt  }
0x73: {  	_ =	shalt  }
0x74: {  	_ =	shalt  }
0x75: {  	_ =	shalt  }
0x76: {  	_ =	shalt  }
0x77: {  	_ =	shalt  }
0x78: {  	_ =	shalt  }
0x79: {  	_ =	shalt  }
0x7a: {  	_ =	shalt  }
0x7b: {  	_ =	shalt  }
0x7c: {  	_ =	shalt  }
0x7d: {  	_ =	shalt  }
0x7e: {  	_ =	shalt  }
0x7f: {  	_ =	shalt  }
0x80: {  	_ =	shalt  }
0x81: {  	_ =	shalt  }
0x82: {  	_ =	shalt  }
0x83: {  	_ =	shalt  }
0x84: {  	_ =	shalt  }
0x85: {  	_ =	shalt  }
0x86: {  	_ =	shalt  }
0x87: {  	_ =	shalt  }
.Lfunc_end0:
.L_simem_size_0:
called_computation_lowered:
.L_overlay_start_0:
0x88: {  	s2 =	sld [smem:$0x3FD9]  }
0x89: {  	s3 =	sld [smem:$0x3FFE];
	_ =	sdelay $0x1  }
0x8a: {  	s1 =	srdreg.scid  }
0x8b: {  	s0 =	sand.u32 $0x1, s1  }
0x8c: {  	s17 =	sshll.u32 s0, $0xA;
	s2 =	sadd.s32 s3, s2  }
0x8d: {  	s2 =	sadd.s32 s2, s17  }
0x8e: {  	[smem:$0x3FC5] =	sst s2  }
0x8f: {  	_ = 	snop  }
0x90: {  	s2 =	sld [smem:$0x3FC9]  }
0x91: {  	s18 =	sld [smem:$0x3FC8]  }
0x92: {  	s4 =	sld [smem:$0x3FC7];
	(tm) =	ssettm $0x1  }
0x93: {  	s5 =	sld [smem:$0x3FFB];
	_ =	sdelay $0x3  }
0x94: {  	_ =	strace s5  }
0x95: {  	s5 =	sld [smem:$0x3FFC];
	_ =	sdelay $0x3  }
0x96: {  	_ =	strace s5  }
0x97: {  	s5 =	sld [smem:$0x3FFD];
	_ =	sdelay $0x3  }
0x98: {  	_ =	strace s5  }
0x99: {  	_ =	strace $0x8FFFFFFF  }
0x9a: {  	s19 =	sld [smem:$0x3FDB];
	_ =	sdelay $0x1  }
0x9b: {  	s6 =	simm.s32 $_scs_section_size  }
0x9c: {  	s7 =	simm.s32 $_size__tile_overlayer_lowered;
	s8 =	simm.s32 $_tile_overlayer_lowered  }
0x9d: {  	s22 =	simm.s32 $0x1BFF;
	s21 =	sshll.u32 s8, $0x1;
	s5 =	sadd.s32 s6, s19  }
0x9e: {  	s9 =	simm.s32 $0x0;
	s20 =	sshll.u32 s7, $0x1;
	s7 =	sadd.s32 s21, s5  }
0x9f: {  	[timem:s9], [sflag:s22] =	dma.local [hbm:s7], s20  }
0xa0: {  	_ =	swait.ge [sflag:s22], s20  }
0xa1: {  	s6 =	ssub.s32 $0x0, s20;
	[sflag:s22] =	ssyncset.done $0x0  }
0xa2: {  	[sflag:s22] =	ssyncadd.s32 s6;
	_ =	sdelay $0x1  }
0xa3: {  	s23 =	simm.s32 $0x1B8B  }
0xa4: {  	_ =	swait.ge [sflag:s23], $0x1  }
0xa5: {  	[sflag:s23] =	ssyncset.done $0x0  }
0xa6: {  	s25 =	simm.s32 $0x1B8E;
	s24 =	sld [smem:$0x3FFE];
	[sflag:s23] =	ssyncadd.s32 $0xFFFFFFFF  }
0xa7: {  	s26 =	simm.s32 $execute0_lowered;
	[smem:$0x3FD2] =	sst s25  }
0xa8: {  	s7 =	sshll.u32 s26, $0x1;
	_ =	strace $0x80000046;
	[dreg:$0x1] =	wrdreg $0xFFFFFFFF  }
0xa9: {  	s28 =	simm.s32 $_size_execute0_lowered;
	s5 =	sadd.s32 s5, s7;
	[dreg:$0x0] =	wrdreg $0x0  }
0xaa: {  	s7 =	sshll.u32 s28, $0x1;
	[dreg:$0x2] =	wrdreg s5  }
0xab: {  	[dreg:$0x3] =	wrdreg s7  }
0xac: {  	[dreg:$0x4] =	wrdreg $0xC0  }
0xad: {  	_ =	task [dreg:s9], $0x5FFFF  }
0xae: {  	[dreg:$0x1] =	wrdreg $0xFFFFFFFF  }
0xaf: {  	[dreg:$0x0] =	wrdreg $0x60  }
0xb0: {  	[dreg:$0x2] =	wrdreg s2  }
0xb1: {  	[dreg:$0x3] =	wrdreg s18  }
0xb2: {  	[dreg:$0x4] =	wrdreg s4  }
0xb3: {  	[dreg:$0x5] =	wrdreg s24  }
0xb4: {  	[dreg:$0x6] =	wrdreg $0x9  }
0xb5: {  	_ =	task.clear_ibuf [dreg:s9], $0x7FFFF;
	_ =	strace $0x90000046  }
0xb6: {  	s29 =	simm.s32 $0x9;
	_ =	strace $0x80000048  }
0xb7: {  	_ =	swait.ge [sflag:s29], $0x1  }
0xb8: {  	[sflag:s29] =	ssyncadd.s32 $0xFFFFFFFF  }
0xb9: {  	_ =	strace $0x90000048  }
0xba: {  	_ =	sfence  }
0xbb: {  	s30 =	sld [smem:$0x0];
	_ =	sdelay $0x2  }
0xbc: {  	s31 =	sshll.u32 s1, $0xD;
	s1 =	sshrl.u32 s1, $0x2  }
0xbd: {  	s3 =	sand.u32 $0x4000, s31;
	s1 =	sadd.s32 s1, s30  }
0xbe: {  	s0 =	sor.u32 s3, s0;
	s1 =	sshll.u32 s1, $0x11  }
0xbf: {  	s0 =	sor.u32 s1, s0  }
0xc0: {  	s0 =	sadd.s32 $0x8F2B, s0  }
0xc1: {  	[sflag:s0] =	ssyncadd.remote.s32 $0x1  }
0xc2: {  	_ =	sfence.sel $0xFFFF  }
0xc3: {  	[dreg:$0x0] =	wrdreg $0xFFFFFFFF;
	(pc) =	sbr.abs _section_cstart, $3  }
0xc4: {  	[dreg:$0x1] =	wrdreg $0xFFFFFFFF  }
0xc5: {  	_ =	task.clear_ibuf [dreg:s9], $0x2FFFF;
	_ =	strace $0x9FFFFFFF  }
0xc6: {  	(tm) =	ssettm $0x7FFFFFFF  }
0xc7: {  	_ =	shalt  }
tec
execute0_lowered:
.L_overlay_start_1:
0x0: {  	(tag) =	ssettag $0x1  }
0x1: {  	s0 =	rddreg [dreg:$0x0]  }
0x2: {  	s1 =	rddreg [dreg:$0x1]  }
0x3: {  	s2 =	rddreg [dreg:$0x3];
	s3 =	simm.s32 $0x0;
	s4 =	srdreg.scid  }
0x4: {  	s6 =	stileid.u32;
	s14 =	simm.s32 $0x5;
	s15 =	simm.s32 $0x200  }
0x5: {  	s28 =	simm.s32 $0x12400;
	s29 =	simm.s32 $0x13C00;
	s30 =	simm.s32 $0x15400  }
0x6: {  	s12 =	simm.s32 $0x16000;
	s31 =	simm.s32 $0x16C00;
	s13 =	simm.s32 $0x17800  }
0x7: {  	[smem:$0x7FF] =	sst s3;
	s4 =	sand.u32 $0x1, s4;
	s6 =	sshll.u32 s6, $0xA  }
0x8: {  	s2 =	sadd.s32 $0x400, s2;
	s5 =	ssub.s32 $0x2, s4;
	s4 =	sshll.u32 s4, $0x9  }
0x9: {  	_ =	strace $0x80000047;
	s7 =	sshrl.u32 s5, $0x1;
	s4 =	sor.u32 s4, s6  }
0xa: {  	s7 =	ssub.s32 s5, s7;
	s8 =	sshrl.u32 s4, $0x3;
	s16 =	sshll.u32 s4, $0x5  }
0xb: {  	s1 =	sadd.s32 s1, s8;
	s17 =	sor.u32 $0x10, s8;
	s5 =	sadd.s32 s0, s16  }
0xc: {  	s9 =	smul.u32 $0x180, s8;
	s19 =	sor.u32 $0x20, s8;
	s8 =	sor.u32 $0x30, s8  }
0xd: {  	s24 =	smax.u32 s7, $0x1;
	s16 =	simm.s32 $0x400;
	s4 =	smul.u32 $0x180, s17  }
0xe: {  	[dreg:$0x5] =	wrdreg s1;
	s18 =	sshll.u32 s17, $0x8;
	s20 =	smul.u32 $0x180, s19  }
0xf: {  	s1 =	sshll.u32 s19, $0x8;
	s10 =	sshll.u32 s8, $0x8;
	s11 =	smul.u32 $0x180, s8  }
0x10: {  	v0 =	vlaneseq.u32;
	[dreg:$0xa] =	wrdreg s24;
	s25 =	sadd.s32 $0x100, s5;
	s26 =	sadd.s32 $0x200, s5  }
0x11: {  	v1 =	vand.u32 $0x7, v0;
	s24 =	simm.s32 $0x10000;
	s17 =	simm.s32 $0x4;
	s6 =	sadd.s32 s0, s18  }
0x12: {  	v16 =	vmul.u32 $0x80, v1;
	s9 =	sadd.s32 s2, s9;
	s8 =	sadd.s32 s0, s1;
	[dreg:$0xb] =	wrdreg s25  }
0x13: {  	s10 =	sadd.s32 s0, s10;
	[dreg:$0xc] =	wrdreg s26;
	s18 =	simm.s32 $0xC400  }
0x14: {  	v1 =	vor.u32 $0x800, v16;
	s25 =	simm.s32 $0x10C00;
	s26 =	simm.s32 $0x11800;
	s0 =	simm.s32 $0x1  }
0x15: {  	v2 =	vor.u32 $0x801, v16;
	v3 =	vor.u32 $0x802, v16;
	v4 =	vor.u32 $0x803, v16;
	s1 =	simm.s32 $0x2;
	[dreg:$0x6] =	wrdreg s9;
	s21 =	sadd.s32 s2, s4  }
0x16: {  	v5 =	vor.u32 $0x804, v16;
	v6 =	vor.u32 $0x805, v16;
	v7 =	vor.u32 $0x806, v16;
	s22 =	sadd.s32 s2, s20;
	s23 =	sadd.s32 s2, s11;
	[dreg:$0x7] =	wrdreg s21  }
0x17: {  	v8 =	vor.u32 $0x807, v16;
	v9 =	vor.u32 $0x808, v16;
	v10 =	vor.u32 $0x809, v16;
	s9 =	simm.s32 $0x13000;
	s11 =	simm.s32 $0x14800;
	[dreg:$0x8] =	wrdreg s22  }
0x18: {  	v11 =	vor.u32 $0x80A, v16;
	v12 =	vor.u32 $0x80B, v16;
	v13 =	vor.u32 $0x80C, v16;
	s2 =	simm.s32 $0x3;
	s4 =	simm.s32 $0x0;
	[dreg:$0x9] =	wrdreg s23  }
0x19: {  	v14 =	vor.u32 $0x80D, v16;
	v15 =	vor.u32 $0x80E, v16;
	v16 =	vor.u32 $0x80F, v16;
	s21 =	sadd.s32 $0x300, s5;
	s22 =	simm.s32 $0xE800;
	s23 =	simm.s32 $0xF400  }
.LBB2_1:
0x1a: {  	s7 =	rddreg [dreg:$0x5]  }
0x1b: {  	[tilespmem:s3], [sflag:$0x5] =	stream.linear.gather [hbm4b:s7+s3], $0x200, $0x38;
	[tilespmem:$0x18400] =	vst v63  }
0x1c: {  	_ =	swait.ge [sflag:s14], $0x200  }
0x1d: {  	[sflag:s14] =	ssyncset.done $0x0  }
0x1e: {  	[sflag:s14] =	ssyncadd.s32 $0xFFFFFE00  }
0x1f: {  	s19 =	rddreg [dreg:$0x2]  }
0x20: {  	[tilespmem:s15], [sflag:$0x5] =	stream.linear.gather [hbm4b:s19+s3], $0x180, $0x38;
	[tilespmem:$0x18400] =	vst v63  }
0x21: {  	_ =	swait.ge [sflag:s14], $0x180  }
0x22: {  	[sflag:s14] =	ssyncset.done $0x0  }
0x23: {  	[sflag:s14] =	ssyncadd.s32 $0xFFFFFE80  }
0x24: {  	[tilespmem:s16], [sflag:$0x1] =	stream.linear.gather [hbm4b:s5+s3], $0x800, $0x38;
	[tilespmem:$0x18400] =	vst v63  }
0x25: {  	s19 =	simm.s32 $0x1000;
	s20 =	rddreg [dreg:$0xb]  }
0x26: {  	[tilespmem:s19], [sflag:$0x1] =	stream.linear.gather [hbm4b:s20+s3], $0x800, $0x38;
	[tilespmem:$0x18400] =	vst v63  }
0x27: {  	s19 =	rddreg [dreg:$0xc];
	s20 =	simm.s32 $0x1C00  }
0x28: {  	[tilespmem:s20], [sflag:$0x1] =	stream.linear.gather [hbm4b:s19+s3], $0x800, $0x38;
	[tilespmem:$0x18400] =	vst v63  }
0x29: {  	s20 =	simm.s32 $0x2800  }
0x2a: {  	[tilespmem:s20], [sflag:$0x1] =	stream.linear.gather [hbm4b:s21+s3], $0x800, $0x38;
	[tilespmem:$0x18400] =	vst v63  }
0x2b: {  	s7 =	sadd.s32 $0x400, s5;
	s20 =	simm.s32 $0x3400  }
0x2c: {  	[tilespmem:s20], [sflag:$0x1] =	stream.linear.gather [hbm4b:s7+s3], $0x800, $0x38;
	[tilespmem:$0x18400] =	vst v63  }
0x2d: {  	s7 =	sadd.s32 $0x500, s5;
	s20 =	simm.s32 $0x4000  }
0x2e: {  	[tilespmem:s20], [sflag:$0x1] =	stream.linear.gather [hbm4b:s7+s3], $0x800, $0x38;
	[tilespmem:$0x18400] =	vst v63  }
0x2f: {  	s7 =	sadd.s32 $0x600, s5;
	s20 =	simm.s32 $0x4C00  }
0x30: {  	[tilespmem:s20], [sflag:$0x1] =	stream.linear.gather [hbm4b:s7+s3], $0x800, $0x38;
	[tilespmem:$0x18400] =	vst v63  }
0x31: {  	s7 =	sadd.s32 $0x700, s5;
	s20 =	simm.s32 $0x5800  }
0x32: {  	[tilespmem:s20], [sflag:$0x1] =	stream.linear.gather [hbm4b:s7+s3], $0x800, $0x38;
	[tilespmem:$0x18400] =	vst v63  }
0x33: {  	s7 =	sadd.s32 $0x800, s5;
	s20 =	simm.s32 $0x6400  }
0x34: {  	[tilespmem:s20], [sflag:$0x1] =	stream.linear.gather [hbm4b:s7+s3], $0x800, $0x38;
	[tilespmem:$0x18400] =	vst v63  }
0x35: {  	s7 =	sadd.s32 $0x900, s5;
	s20 =	simm.s32 $0x7000  }
0x36: {  	[tilespmem:s20], [sflag:$0x1] =	stream.linear.gather [hbm4b:s7+s3], $0x800, $0x38;
	[tilespmem:$0x18400] =	vst v63  }
0x37: {  	s7 =	sadd.s32 $0xA00, s5;
	s20 =	simm.s32 $0x7C00  }
0x38: {  	[tilespmem:s20], [sflag:$0x1] =	stream.linear.gather [hbm4b:s7+s3], $0x800, $0x38;
	[tilespmem:$0x18400] =	vst v63  }
0x39: {  	s7 =	sadd.s32 $0xB00, s5;
	s20 =	simm.s32 $0x8800  }
0x3a: {  	[tilespmem:s20], [sflag:$0x1] =	stream.linear.gather [hbm4b:s7+s3], $0x800, $0x38;
	[tilespmem:$0x18400] =	vst v63  }
0x3b: {  	s7 =	sadd.s32 $0xC00, s5;
	s20 =	simm.s32 $0x9400  }
0x3c: {  	[tilespmem:s20], [sflag:$0x1] =	stream.linear.gather [hbm4b:s7+s3], $0x800, $0x38;
	[tilespmem:$0x18400] =	vst v63  }
0x3d: {  	s7 =	sadd.s32 $0xD00, s5;
	s20 =	simm.s32 $0xA000  }
0x3e: {  	[tilespmem:s20], [sflag:$0x1] =	stream.linear.gather [hbm4b:s7+s3], $0x800, $0x38;
	[tilespmem:$0x18400] =	vst v63  }
0x3f: {  	s7 =	sadd.s32 $0xE00, s5;
	s20 =	simm.s32 $0xAC00  }
0x40: {  	[tilespmem:s20], [sflag:$0x1] =	stream.linear.gather [hbm4b:s7+s3], $0x800, $0x38;
	[tilespmem:$0x18400] =	vst v63  }
0x41: {  	s7 =	sadd.s32 $0xF00, s5;
	s20 =	simm.s32 $0xB800  }
0x42: {  	[tilespmem:s20], [sflag:$0x1] =	stream.linear.gather [hbm4b:s7+s3], $0x800, $0x38;
	[tilespmem:$0x18400] =	vst v63  }
0x43: {  	_ = 	snop  }
0x44: {  	[tilespmem:s18], [sflag:$0x2] =	stream.linear.gather [hbm4b:s6+s3], $0x800, $0x38;
	[tilespmem:$0x18400] =	vst v63  }
0x45: {  	s7 =	sadd.s32 $0x100, s6;
	s20 =	simm.s32 $0xD000  }
0x46: {  	[tilespmem:s20], [sflag:$0x2] =	stream.linear.gather [hbm4b:s7+s3], $0x800, $0x38;
	[tilespmem:$0x18400] =	vst v63  }
0x47: {  	s7 =	sadd.s32 $0x200, s6;
	s20 =	simm.s32 $0xDC00  }
0x48: {  	[tilespmem:s20], [sflag:$0x2] =	stream.linear.gather [hbm4b:s7+s3], $0x800, $0x38;
	[tilespmem:$0x18400] =	vst v63  }
0x49: {  	s20 =	sadd.s32 $0x300, s6  }
0x4a: {  	[tilespmem:s22], [sflag:$0x2] =	stream.linear.gather [hbm4b:s20+s3], $0x800, $0x38;
	[tilespmem:$0x18400] =	vst v63  }
0x4b: {  	s7 =	sadd.s32 $0x400, s6  }
0x4c: {  	[tilespmem:s23], [sflag:$0x2] =	stream.linear.gather [hbm4b:s7+s3], $0x800, $0x38;
	[tilespmem:$0x18400] =	vst v63  }
0x4d: {  	s20 =	sadd.s32 $0x500, s6  }
0x4e: {  	[tilespmem:s24], [sflag:$0x2] =	stream.linear.gather [hbm4b:s20+s3], $0x800, $0x38;
	[tilespmem:$0x18400] =	vst v63  }
0x4f: {  	s7 =	sadd.s32 $0x600, s6  }
0x50: {  	[tilespmem:s25], [sflag:$0x2] =	stream.linear.gather [hbm4b:s7+s3], $0x800, $0x38;
	[tilespmem:$0x18400] =	vst v63  }
0x51: {  	s20 =	sadd.s32 $0x700, s6  }
0x52: {  	[tilespmem:s26], [sflag:$0x2] =	stream.linear.gather [hbm4b:s20+s3], $0x800, $0x38;
	[tilespmem:$0x18400] =	vst v63  }
0x53: {  	s7 =	sadd.s32 $0x800, s6  }
0x54: {  	[tilespmem:s28], [sflag:$0x2] =	stream.linear.gather [hbm4b:s7+s3], $0x800, $0x38;
	[tilespmem:$0x18400] =	vst v63  }
0x55: {  	s20 =	sadd.s32 $0x900, s6  }
0x56: {  	[tilespmem:s9], [sflag:$0x2] =	stream.linear.gather [hbm4b:s20+s3], $0x800, $0x38;
	[tilespmem:$0x18400] =	vst v63  }
0x57: {  	s7 =	sadd.s32 $0xA00, s6  }
0x58: {  	[tilespmem:s29], [sflag:$0x2] =	stream.linear.gather [hbm4b:s7+s3], $0x800, $0x38;
	[tilespmem:$0x18400] =	vst v63  }
0x59: {  	s20 =	sadd.s32 $0xB00, s6  }
0x5a: {  	[tilespmem:s11], [sflag:$0x2] =	stream.linear.gather [hbm4b:s20+s3], $0x800, $0x38;
	[tilespmem:$0x18400] =	vst v63  }
0x5b: {  	s7 =	sadd.s32 $0xC00, s6  }
0x5c: {  	[tilespmem:s30], [sflag:$0x2] =	stream.linear.gather [hbm4b:s7+s3], $0x800, $0x38;
	[tilespmem:$0x18400] =	vst v63  }
0x5d: {  	s20 =	sadd.s32 $0xD00, s6  }
0x5e: {  	[tilespmem:s12], [sflag:$0x2] =	stream.linear.gather [hbm4b:s20+s3], $0x800, $0x38;
	[tilespmem:$0x18400] =	vst v63  }
0x5f: {  	s7 =	sadd.s32 $0xE00, s6  }
0x60: {  	[tilespmem:s31], [sflag:$0x2] =	stream.linear.gather [hbm4b:s7+s3], $0x800, $0x38;
	[tilespmem:$0x18400] =	vst v63  }
0x61: {  	s20 =	sadd.s32 $0xF00, s6  }
0x62: {  	[tilespmem:s13], [sflag:$0x2] =	stream.linear.gather [hbm4b:s20+s3], $0x800, $0x38;
	[tilespmem:$0x18400] =	vst v63  }
0x63: {  	v17 =	vld [tilespmem:s3+$0x0];
	_ =	sdelay $0x4  }
0x64: {  	v17 =	vshll.u32 v17, $0x7  }
0x65: {  	v18 =	vor.u32 s3, v0  }
0x66: {  	v18 =	vshrl.u32 v18, $0x3  }
0x67: {  	v19 =	vmul.u32 $0xC00, v18;
	_ =	sdelay $0x1  }
0x68: {  	v20 =	vadd.s32 v1, v19;
	v18 =	vld.idx.msk [tilespmem:v17+s15+$0x0], $0xffff  }
0x69: {  	v21 =	vor.u32 $0x1, v17;
	_ =	sdelay $0x3  }
0x6a: {  	[tilespmem:v20+s16+$0x0] =	vst.idx.msk $0xffff, v18  }
0x6b: {  	v20 =	vadd.s32 v2, v19;
	v18 =	vld.idx.msk [tilespmem:v21+s15+$0x0], $0xffff  }
0x6c: {  	v51 =	vor.u32 $0x2, v17;
	_ =	sdelay $0x3  }
0x6d: {  	[tilespmem:v20+s16+$0x0] =	vst.idx.msk $0xffff, v18  }
0x6e: {  	v20 =	vadd.s32 v3, v19;
	v18 =	vld.idx.msk [tilespmem:v51+s15+$0x0], $0xffff  }
0x6f: {  	v52 =	vor.u32 $0x3, v17;
	_ =	sdelay $0x3  }
0x70: {  	[tilespmem:v20+s16+$0x0] =	vst.idx.msk $0xffff, v18  }
0x71: {  	v20 =	vadd.s32 v4, v19;
	v18 =	vld.idx.msk [tilespmem:v52+s15+$0x0], $0xffff  }
0x72: {  	v53 =	vor.u32 $0x4, v17;
	_ =	sdelay $0x3  }
0x73: {  	[tilespmem:v20+s16+$0x0] =	vst.idx.msk $0xffff, v18  }
0x74: {  	v20 =	vadd.s32 v5, v19;
	v18 =	vld.idx.msk [tilespmem:v53+s15+$0x0], $0xffff  }
0x75: {  	v54 =	vor.u32 $0x5, v17;
	_ =	sdelay $0x3  }
0x76: {  	[tilespmem:v20+s16+$0x0] =	vst.idx.msk $0xffff, v18  }
0x77: {  	v20 =	vadd.s32 v6, v19;
	v18 =	vld.idx.msk [tilespmem:v54+s15+$0x0], $0xffff  }
0x78: {  	v55 =	vor.u32 $0x6, v17;
	_ =	sdelay $0x3  }
0x79: {  	[tilespmem:v20+s16+$0x0] =	vst.idx.msk $0xffff, v18  }
0x7a: {  	v20 =	vadd.s32 v7, v19;
	v18 =	vld.idx.msk [tilespmem:v55+s15+$0x0], $0xffff  }
0x7b: {  	v56 =	vor.u32 $0x7, v17;
	_ =	sdelay $0x3  }
0x7c: {  	[tilespmem:v20+s16+$0x0] =	vst.idx.msk $0xffff, v18  }
0x7d: {  	v20 =	vadd.s32 v8, v19;
	v18 =	vld.idx.msk [tilespmem:v56+s15+$0x0], $0xffff  }
0x7e: {  	v57 =	vor.u32 $0x8, v17;
	_ =	sdelay $0x3  }
0x7f: {  	[tilespmem:v20+s16+$0x0] =	vst.idx.msk $0xffff, v18  }
0x80: {  	v20 =	vadd.s32 v9, v19;
	v18 =	vld.idx.msk [tilespmem:v57+s15+$0x0], $0xffff  }
0x81: {  	v58 =	vor.u32 $0x9, v17;
	_ =	sdelay $0x3  }
0x82: {  	[tilespmem:v20+s16+$0x0] =	vst.idx.msk $0xffff, v18  }
0x83: {  	v20 =	vadd.s32 v10, v19;
	v18 =	vld.idx.msk [tilespmem:v58+s15+$0x0], $0xffff  }
0x84: {  	v59 =	vor.u32 $0xA, v17;
	_ =	sdelay $0x3  }
0x85: {  	[tilespmem:v20+s16+$0x0] =	vst.idx.msk $0xffff, v18  }
0x86: {  	v20 =	vadd.s32 v11, v19;
	v18 =	vld.idx.msk [tilespmem:v59+s15+$0x0], $0xffff  }
0x87: {  	v60 =	vor.u32 $0xB, v17;
	_ =	sdelay $0x3  }
0x88: {  	[tilespmem:v20+s16+$0x0] =	vst.idx.msk $0xffff, v18  }
0x89: {  	v20 =	vadd.s32 v12, v19;
	v18 =	vld.idx.msk [tilespmem:v60+s15+$0x0], $0xffff  }
0x8a: {  	v61 =	vor.u32 $0xC, v17;
	_ =	sdelay $0x3  }
0x8b: {  	[tilespmem:v20+s16+$0x0] =	vst.idx.msk $0xffff, v18  }
0x8c: {  	v20 =	vadd.s32 v13, v19;
	v18 =	vld.idx.msk [tilespmem:v61+s15+$0x0], $0xffff  }
0x8d: {  	v62 =	vor.u32 $0xD, v17;
	_ =	sdelay $0x3  }
0x8e: {  	[tilespmem:v20+s16+$0x0] =	vst.idx.msk $0xffff, v18  }
0x8f: {  	v20 =	vadd.s32 v14, v19;
	v18 =	vld.idx.msk [tilespmem:v62+s15+$0x0], $0xffff  }
0x90: {  	v63 =	vor.u32 $0xE, v17;
	_ =	sdelay $0x3  }
0x91: {  	[tilespmem:v20+s16+$0x0] =	vst.idx.msk $0xffff, v18  }
0x92: {  	v20 =	vadd.s32 v15, v19;
	v18 =	vld.idx.msk [tilespmem:v63+s15+$0x0], $0xffff  }
0x93: {  	v17 =	vor.u32 $0xF, v17;
	_ =	sdelay $0x3  }
0x94: {  	[tilespmem:v20+s16+$0x0] =	vst.idx.msk $0xffff, v18  }
0x95: {  	s19 =	simm.s32 $0x10;
	s20 =	simm.s32 $0x0;
	v18 =	vld.idx.msk [tilespmem:v17+s15+$0x0], $0xffff;
	v17 =	vadd.s32 v16, v19  }
.LBB2_2:
0x96: {  	_ =	sdelay $0x2  }
0x97: {  	p0 =	sne.s32 s19, $0x70  }
0x98: {  	s20 =	sadd.s32 $0x10, s20;
	s7 =	smov.u32 s19;
	s19 =	sadd.s32 $0x10, s19;
	[tilespmem:v17+s16+$0x0] =	vst.idx.msk $0xffff, v18  }
0x99: {  	v17 =	vld [tilespmem:s20+$0x0];
	_ =	sdelay $0x4  }
0x9a: {  	v18 =	vshll.u32 v17, $0x7;
	_ =	sdelay $0x1  }
0x9b: {  	v17 =	vor.u32 s7, v0  }
0x9c: {  	v17 =	vshrl.u32 v17, $0x3  }
0x9d: {  	v17 =	vmul.u32 $0xC00, v17  }
0x9e: {  	v19 =	vld.idx.msk [tilespmem:v18+s15+$0x0], $0xffff  }
0x9f: {  	v20 =	vadd.s32 v1, v17  }
0xa0: {  	v21 =	vor.u32 $0x1, v18;
	_ =	sdelay $0x3  }
0xa1: {  	[tilespmem:v20+s16+$0x0] =	vst.idx.msk $0xffff, v19  }
0xa2: {  	v19 =	vld.idx.msk [tilespmem:v21+s15+$0x0], $0xffff  }
0xa3: {  	v20 =	vadd.s32 v2, v17  }
0xa4: {  	v21 =	vor.u32 $0x2, v18;
	_ =	sdelay $0x3  }
0xa5: {  	[tilespmem:v20+s16+$0x0] =	vst.idx.msk $0xffff, v19  }
0xa6: {  	v19 =	vld.idx.msk [tilespmem:v21+s15+$0x0], $0xffff  }
0xa7: {  	v20 =	vadd.s32 v3, v17  }
0xa8: {  	v21 =	vor.u32 $0x3, v18;
	_ =	sdelay $0x3  }
0xa9: {  	[tilespmem:v20+s16+$0x0] =	vst.idx.msk $0xffff, v19  }
0xaa: {  	v19 =	vld.idx.msk [tilespmem:v21+s15+$0x0], $0xffff  }
0xab: {  	v20 =	vadd.s32 v4, v17  }
0xac: {  	v21 =	vor.u32 $0x4, v18;
	_ =	sdelay $0x3  }
0xad: {  	[tilespmem:v20+s16+$0x0] =	vst.idx.msk $0xffff, v19  }
0xae: {  	v19 =	vld.idx.msk [tilespmem:v21+s15+$0x0], $0xffff  }
0xaf: {  	v20 =	vadd.s32 v5, v17  }
0xb0: {  	v21 =	vor.u32 $0x5, v18;
	_ =	sdelay $0x3  }
0xb1: {  	[tilespmem:v20+s16+$0x0] =	vst.idx.msk $0xffff, v19  }
0xb2: {  	v19 =	vld.idx.msk [tilespmem:v21+s15+$0x0], $0xffff  }
0xb3: {  	v20 =	vadd.s32 v6, v17  }
0xb4: {  	v21 =	vor.u32 $0x6, v18;
	_ =	sdelay $0x3  }
0xb5: {  	[tilespmem:v20+s16+$0x0] =	vst.idx.msk $0xffff, v19  }
0xb6: {  	v19 =	vld.idx.msk [tilespmem:v21+s15+$0x0], $0xffff  }
0xb7: {  	v20 =	vadd.s32 v7, v17  }
0xb8: {  	v21 =	vor.u32 $0x7, v18;
	_ =	sdelay $0x3  }
0xb9: {  	[tilespmem:v20+s16+$0x0] =	vst.idx.msk $0xffff, v19  }
0xba: {  	v19 =	vld.idx.msk [tilespmem:v21+s15+$0x0], $0xffff  }
0xbb: {  	v20 =	vadd.s32 v8, v17  }
0xbc: {  	v21 =	vor.u32 $0x8, v18;
	_ =	sdelay $0x3  }
0xbd: {  	[tilespmem:v20+s16+$0x0] =	vst.idx.msk $0xffff, v19  }
0xbe: {  	v19 =	vld.idx.msk [tilespmem:v21+s15+$0x0], $0xffff  }
0xbf: {  	v20 =	vadd.s32 v9, v17  }
0xc0: {  	v21 =	vor.u32 $0x9, v18;
	_ =	sdelay $0x3  }
0xc1: {  	[tilespmem:v20+s16+$0x0] =	vst.idx.msk $0xffff, v19  }
0xc2: {  	v19 =	vld.idx.msk [tilespmem:v21+s15+$0x0], $0xffff  }
0xc3: {  	v20 =	vadd.s32 v10, v17  }
0xc4: {  	v21 =	vor.u32 $0xA, v18;
	_ =	sdelay $0x3  }
0xc5: {  	[tilespmem:v20+s16+$0x0] =	vst.idx.msk $0xffff, v19  }
0xc6: {  	v19 =	vld.idx.msk [tilespmem:v21+s15+$0x0], $0xffff  }
0xc7: {  	v20 =	vadd.s32 v11, v17  }
0xc8: {  	v21 =	vor.u32 $0xB, v18;
	_ =	sdelay $0x3  }
0xc9: {  	[tilespmem:v20+s16+$0x0] =	vst.idx.msk $0xffff, v19  }
0xca: {  	v19 =	vld.idx.msk [tilespmem:v21+s15+$0x0], $0xffff  }
0xcb: {  	v20 =	vadd.s32 v12, v17  }
0xcc: {  	v21 =	vor.u32 $0xC, v18;
	_ =	sdelay $0x3  }
0xcd: {  	[tilespmem:v20+s16+$0x0] =	vst.idx.msk $0xffff, v19  }
0xce: {  	v19 =	vld.idx.msk [tilespmem:v21+s15+$0x0], $0xffff  }
0xcf: {  	v20 =	vadd.s32 v13, v17  }
0xd0: {  	v21 =	vor.u32 $0xD, v18;
	_ =	sdelay $0x3  }
0xd1: {  	[tilespmem:v20+s16+$0x0] =	vst.idx.msk $0xffff, v19  }
0xd2: {  	v19 =	vld.idx.msk [tilespmem:v21+s15+$0x0], $0xffff  }
0xd3: {  	v20 =	vadd.s32 v14, v17  }
0xd4: {  	v21 =	vor.u32 $0xE, v18;
	_ =	sdelay $0x3  }
0xd5: {  	[tilespmem:v20+s16+$0x0] =	vst.idx.msk $0xffff, v19  }
0xd6: {  	v19 =	vld.idx.msk [tilespmem:v21+s15+$0x0], $0xffff  }
0xd7: {  	v20 =	vadd.s32 v15, v17  }
0xd8: {  	v18 =	vor.u32 $0xF, v18;
	_ =	sdelay $0x1  }
.Ltmp0:
0xd9: {  	(pc) =	sbr.rel @p0 .LBB2_2-.Ltmp0, $4  }
0xda: {  	_ = 	snop  }
0xdb: {  	[tilespmem:v20+s16+$0x0] =	vst.idx.msk $0xffff, v19  }
0xdc: {  	v18 =	vld.idx.msk [tilespmem:v18+s15+$0x0], $0xffff  }
0xdd: {  	v17 =	vadd.s32 v16, v17  }
0xde: {  	_ =	sdelay $0x3  }
0xdf: {  	[tilespmem:v17+s16+$0x0] =	vst.idx.msk $0xffff, v18  }
0xe0: {  	_ =	swait.ge [sflag:s0], $0x8000  }
0xe1: {  	[sflag:s0] =	ssyncset.done $0x0  }
0xe2: {  	s7 =	simm.s32 $0x0;
	s19 =	rddreg [dreg:$0x6];
	[sflag:s0] =	ssyncadd.s32 $0xFFFF8000  }
0xe3: {  	[hbm4b:s19+s7] =	stream.linear.scatter [tilespmem:s16], [sflag:$0x3], $0xC000, $0x38;
	[tilespmem:$0x18400] =	vst v63  }
0xe4: {  	_ =	swait.ge [sflag:s2], $0xC000  }
0xe5: {  	[sflag:s2] =	ssyncset.done $0x0  }
0xe6: {  	[sflag:s2] =	ssyncadd.s32 $0xFFFF4000  }
0xe7: {  	[tilespmem:s16], [sflag:$0x1] =	stream.linear.gather [hbm4b:s8+s7], $0x800, $0x38;
	[tilespmem:$0x18400] =	vst v63  }
0xe8: {  	s20 =	simm.s32 $0x1000;
	s19 =	sadd.s32 $0x100, s8  }
0xe9: {  	[tilespmem:s20], [sflag:$0x1] =	stream.linear.gather [hbm4b:s19+s7], $0x800, $0x38;
	[tilespmem:$0x18400] =	vst v63  }
0xea: {  	s19 =	sadd.s32 $0x200, s8;
	s20 =	simm.s32 $0x1C00  }
0xeb: {  	[tilespmem:s20], [sflag:$0x1] =	stream.linear.gather [hbm4b:s19+s7], $0x800, $0x38;
	[tilespmem:$0x18400] =	vst v63  }
0xec: {  	s19 =	sadd.s32 $0x300, s8;
	s20 =	simm.s32 $0x2800  }
0xed: {  	[tilespmem:s20], [sflag:$0x1] =	stream.linear.gather [hbm4b:s19+s7], $0x800, $0x38;
	[tilespmem:$0x18400] =	vst v63  }
0xee: {  	s19 =	sadd.s32 $0x400, s8;
	s20 =	simm.s32 $0x3400  }
0xef: {  	[tilespmem:s20], [sflag:$0x1] =	stream.linear.gather [hbm4b:s19+s7], $0x800, $0x38;
	[tilespmem:$0x18400] =	vst v63  }
0xf0: {  	s19 =	sadd.s32 $0x500, s8;
	s20 =	simm.s32 $0x4000  }
0xf1: {  	[tilespmem:s20], [sflag:$0x1] =	stream.linear.gather [hbm4b:s19+s7], $0x800, $0x38;
	[tilespmem:$0x18400] =	vst v63  }
0xf2: {  	s19 =	sadd.s32 $0x600, s8;
	s20 =	simm.s32 $0x4C00  }
0xf3: {  	[tilespmem:s20], [sflag:$0x1] =	stream.linear.gather [hbm4b:s19+s7], $0x800, $0x38;
	[tilespmem:$0x18400] =	vst v63  }
0xf4: {  	s19 =	sadd.s32 $0x700, s8;
	s20 =	simm.s32 $0x5800  }
0xf5: {  	[tilespmem:s20], [sflag:$0x1] =	stream.linear.gather [hbm4b:s19+s7], $0x800, $0x38;
	[tilespmem:$0x18400] =	vst v63  }
0xf6: {  	s19 =	sadd.s32 $0x800, s8;
	s20 =	simm.s32 $0x6400  }
0xf7: {  	[tilespmem:s20], [sflag:$0x1] =	stream.linear.gather [hbm4b:s19+s7], $0x800, $0x38;
	[tilespmem:$0x18400] =	vst v63  }
0xf8: {  	s19 =	sadd.s32 $0x900, s8;
	s20 =	simm.s32 $0x7000  }
0xf9: {  	[tilespmem:s20], [sflag:$0x1] =	stream.linear.gather [hbm4b:s19+s7], $0x800, $0x38;
	[tilespmem:$0x18400] =	vst v63  }
0xfa: {  	s19 =	sadd.s32 $0xA00, s8;
	s20 =	simm.s32 $0x7C00  }
0xfb: {  	[tilespmem:s20], [sflag:$0x1] =	stream.linear.gather [hbm4b:s19+s7], $0x800, $0x38;
	[tilespmem:$0x18400] =	vst v63  }
0xfc: {  	s19 =	sadd.s32 $0xB00, s8;
	s20 =	simm.s32 $0x8800  }
0xfd: {  	[tilespmem:s20], [sflag:$0x1] =	stream.linear.gather [hbm4b:s19+s7], $0x800, $0x38;
	[tilespmem:$0x18400] =	vst v63  }
0xfe: {  	s19 =	sadd.s32 $0xC00, s8;
	s20 =	simm.s32 $0x9400  }
0xff: {  	[tilespmem:s20], [sflag:$0x1] =	stream.linear.gather [hbm4b:s19+s7], $0x800, $0x38;
	[tilespmem:$0x18400] =	vst v63  }
0x100: {  	s19 =	sadd.s32 $0xD00, s8;
	s20 =	simm.s32 $0xA000  }
0x101: {  	[tilespmem:s20], [sflag:$0x1] =	stream.linear.gather [hbm4b:s19+s7], $0x800, $0x38;
	[tilespmem:$0x18400] =	vst v63  }
0x102: {  	s19 =	sadd.s32 $0xE00, s8;
	s20 =	simm.s32 $0xAC00  }
0x103: {  	[tilespmem:s20], [sflag:$0x1] =	stream.linear.gather [hbm4b:s19+s7], $0x800, $0x38;
	[tilespmem:$0x18400] =	vst v63  }
0x104: {  	s19 =	sadd.s32 $0xF00, s8;
	s20 =	simm.s32 $0xB800  }
0x105: {  	[tilespmem:s20], [sflag:$0x1] =	stream.linear.gather [hbm4b:s19+s7], $0x800, $0x38;
	[tilespmem:$0x18400] =	vst v63  }
0x106: {  	s19 =	simm.s32 $0x80  }
0x107: {  	v17 =	vld [tilespmem:s19+$0x0];
	_ =	sdelay $0x4  }
0x108: {  	v17 =	vshll.u32 v17, $0x7  }
0x109: {  	v18 =	vor.u32 s7, v0  }
0x10a: {  	v18 =	vshrl.u32 v18, $0x3  }
0x10b: {  	v19 =	vmul.u32 $0xC00, v18;
	_ =	sdelay $0x1  }
0x10c: {  	v20 =	vadd.s32 v1, v19;
	v18 =	vld.idx.msk [tilespmem:v17+s15+$0x0], $0xffff  }
0x10d: {  	v21 =	vor.u32 $0x1, v17;
	_ =	sdelay $0x3  }
0x10e: {  	[tilespmem:v20+s18+$0x0] =	vst.idx.msk $0xffff, v18  }
0x10f: {  	v20 =	vadd.s32 v2, v19;
	v18 =	vld.idx.msk [tilespmem:v21+s15+$0x0], $0xffff  }
0x110: {  	v51 =	vor.u32 $0x2, v17;
	_ =	sdelay $0x3  }
0x111: {  	[tilespmem:v20+s18+$0x0] =	vst.idx.msk $0xffff, v18  }
0x112: {  	v20 =	vadd.s32 v3, v19;
	v18 =	vld.idx.msk [tilespmem:v51+s15+$0x0], $0xffff  }
0x113: {  	v52 =	vor.u32 $0x3, v17;
	_ =	sdelay $0x3  }
0x114: {  	[tilespmem:v20+s18+$0x0] =	vst.idx.msk $0xffff, v18  }
0x115: {  	v20 =	vadd.s32 v4, v19;
	v18 =	vld.idx.msk [tilespmem:v52+s15+$0x0], $0xffff  }
0x116: {  	v53 =	vor.u32 $0x4, v17;
	_ =	sdelay $0x3  }
0x117: {  	[tilespmem:v20+s18+$0x0] =	vst.idx.msk $0xffff, v18  }
0x118: {  	v20 =	vadd.s32 v5, v19;
	v18 =	vld.idx.msk [tilespmem:v53+s15+$0x0], $0xffff  }
0x119: {  	v54 =	vor.u32 $0x5, v17;
	_ =	sdelay $0x3  }
0x11a: {  	[tilespmem:v20+s18+$0x0] =	vst.idx.msk $0xffff, v18  }
0x11b: {  	v20 =	vadd.s32 v6, v19;
	v18 =	vld.idx.msk [tilespmem:v54+s15+$0x0], $0xffff  }
0x11c: {  	v55 =	vor.u32 $0x6, v17;
	_ =	sdelay $0x3  }
0x11d: {  	[tilespmem:v20+s18+$0x0] =	vst.idx.msk $0xffff, v18  }
0x11e: {  	v20 =	vadd.s32 v7, v19;
	v18 =	vld.idx.msk [tilespmem:v55+s15+$0x0], $0xffff  }
0x11f: {  	v56 =	vor.u32 $0x7, v17;
	_ =	sdelay $0x3  }
0x120: {  	[tilespmem:v20+s18+$0x0] =	vst.idx.msk $0xffff, v18  }
0x121: {  	v20 =	vadd.s32 v8, v19;
	v18 =	vld.idx.msk [tilespmem:v56+s15+$0x0], $0xffff  }
0x122: {  	v57 =	vor.u32 $0x8, v17;
	_ =	sdelay $0x3  }
0x123: {  	[tilespmem:v20+s18+$0x0] =	vst.idx.msk $0xffff, v18  }
0x124: {  	v20 =	vadd.s32 v9, v19;
	v18 =	vld.idx.msk [tilespmem:v57+s15+$0x0], $0xffff  }
0x125: {  	v58 =	vor.u32 $0x9, v17;
	_ =	sdelay $0x3  }
0x126: {  	[tilespmem:v20+s18+$0x0] =	vst.idx.msk $0xffff, v18  }
0x127: {  	v20 =	vadd.s32 v10, v19;
	v18 =	vld.idx.msk [tilespmem:v58+s15+$0x0], $0xffff  }
0x128: {  	v59 =	vor.u32 $0xA, v17;
	_ =	sdelay $0x3  }
0x129: {  	[tilespmem:v20+s18+$0x0] =	vst.idx.msk $0xffff, v18  }
0x12a: {  	v20 =	vadd.s32 v11, v19;
	v18 =	vld.idx.msk [tilespmem:v59+s15+$0x0], $0xffff  }
0x12b: {  	v60 =	vor.u32 $0xB, v17;
	_ =	sdelay $0x3  }
0x12c: {  	[tilespmem:v20+s18+$0x0] =	vst.idx.msk $0xffff, v18  }
0x12d: {  	v20 =	vadd.s32 v12, v19;
	v18 =	vld.idx.msk [tilespmem:v60+s15+$0x0], $0xffff  }
0x12e: {  	v61 =	vor.u32 $0xC, v17;
	_ =	sdelay $0x3  }
0x12f: {  	[tilespmem:v20+s18+$0x0] =	vst.idx.msk $0xffff, v18  }
0x130: {  	v20 =	vadd.s32 v13, v19;
	v18 =	vld.idx.msk [tilespmem:v61+s15+$0x0], $0xffff  }
0x131: {  	v62 =	vor.u32 $0xD, v17;
	_ =	sdelay $0x3  }
0x132: {  	[tilespmem:v20+s18+$0x0] =	vst.idx.msk $0xffff, v18  }
0x133: {  	v20 =	vadd.s32 v14, v19;
	v18 =	vld.idx.msk [tilespmem:v62+s15+$0x0], $0xffff  }
0x134: {  	v63 =	vor.u32 $0xE, v17;
	_ =	sdelay $0x3  }
0x135: {  	[tilespmem:v20+s18+$0x0] =	vst.idx.msk $0xffff, v18  }
0x136: {  	v20 =	vadd.s32 v15, v19;
	v18 =	vld.idx.msk [tilespmem:v63+s15+$0x0], $0xffff  }
0x137: {  	v17 =	vor.u32 $0xF, v17;
	_ =	sdelay $0x3  }
0x138: {  	[tilespmem:v20+s18+$0x0] =	vst.idx.msk $0xffff, v18  }
0x139: {  	s20 =	simm.s32 $0x10;
	v18 =	vld.idx.msk [tilespmem:v17+s15+$0x0], $0xffff;
	v17 =	vadd.s32 v16, v19  }
.LBB2_4:
0x13a: {  	_ =	sdelay $0x2  }
0x13b: {  	p0 =	sne.s32 s20, $0x70  }
0x13c: {  	s19 =	sadd.s32 $0x10, s19;
	s7 =	smov.u32 s20;
	s20 =	sadd.s32 $0x10, s20;
	[tilespmem:v17+s18+$0x0] =	vst.idx.msk $0xffff, v18  }
0x13d: {  	v17 =	vld [tilespmem:s19+$0x0];
	_ =	sdelay $0x4  }
0x13e: {  	v18 =	vshll.u32 v17, $0x7;
	_ =	sdelay $0x1  }
0x13f: {  	v17 =	vor.u32 s7, v0  }
0x140: {  	v17 =	vshrl.u32 v17, $0x3  }
0x141: {  	v17 =	vmul.u32 $0xC00, v17  }
0x142: {  	v19 =	vld.idx.msk [tilespmem:v18+s15+$0x0], $0xffff  }
0x143: {  	v20 =	vadd.s32 v1, v17  }
0x144: {  	v21 =	vor.u32 $0x1, v18;
	_ =	sdelay $0x3  }
0x145: {  	[tilespmem:v20+s18+$0x0] =	vst.idx.msk $0xffff, v19  }
0x146: {  	v19 =	vld.idx.msk [tilespmem:v21+s15+$0x0], $0xffff  }
0x147: {  	v20 =	vadd.s32 v2, v17  }
0x148: {  	v21 =	vor.u32 $0x2, v18;
	_ =	sdelay $0x3  }
0x149: {  	[tilespmem:v20+s18+$0x0] =	vst.idx.msk $0xffff, v19  }
0x14a: {  	v19 =	vld.idx.msk [tilespmem:v21+s15+$0x0], $0xffff  }
0x14b: {  	v20 =	vadd.s32 v3, v17  }
0x14c: {  	v21 =	vor.u32 $0x3, v18;
	_ =	sdelay $0x3  }
0x14d: {  	[tilespmem:v20+s18+$0x0] =	vst.idx.msk $0xffff, v19  }
0x14e: {  	v19 =	vld.idx.msk [tilespmem:v21+s15+$0x0], $0xffff  }
0x14f: {  	v20 =	vadd.s32 v4, v17  }
0x150: {  	v21 =	vor.u32 $0x4, v18;
	_ =	sdelay $0x3  }
0x151: {  	[tilespmem:v20+s18+$0x0] =	vst.idx.msk $0xffff, v19  }
0x152: {  	v19 =	vld.idx.msk [tilespmem:v21+s15+$0x0], $0xffff  }
0x153: {  	v20 =	vadd.s32 v5, v17  }
0x154: {  	v21 =	vor.u32 $0x5, v18;
	_ =	sdelay $0x3  }
0x155: {  	[tilespmem:v20+s18+$0x0] =	vst.idx.msk $0xffff, v19  }
0x156: {  	v19 =	vld.idx.msk [tilespmem:v21+s15+$0x0], $0xffff  }
0x157: {  	v20 =	vadd.s32 v6, v17  }
0x158: {  	v21 =	vor.u32 $0x6, v18;
	_ =	sdelay $0x3  }
0x159: {  	[tilespmem:v20+s18+$0x0] =	vst.idx.msk $0xffff, v19  }
0x15a: {  	v19 =	vld.idx.msk [tilespmem:v21+s15+$0x0], $0xffff  }
0x15b: {  	v20 =	vadd.s32 v7, v17  }
0x15c: {  	v21 =	vor.u32 $0x7, v18;
	_ =	sdelay $0x3  }
0x15d: {  	[tilespmem:v20+s18+$0x0] =	vst.idx.msk $0xffff, v19  }
0x15e: {  	v19 =	vld.idx.msk [tilespmem:v21+s15+$0x0], $0xffff  }
0x15f: {  	v20 =	vadd.s32 v8, v17  }
0x160: {  	v21 =	vor.u32 $0x8, v18;
	_ =	sdelay $0x3  }
0x161: {  	[tilespmem:v20+s18+$0x0] =	vst.idx.msk $0xffff, v19  }
0x162: {  	v19 =	vld.idx.msk [tilespmem:v21+s15+$0x0], $0xffff  }
0x163: {  	v20 =	vadd.s32 v9, v17  }
0x164: {  	v21 =	vor.u32 $0x9, v18;
	_ =	sdelay $0x3  }
0x165: {  	[tilespmem:v20+s18+$0x0] =	vst.idx.msk $0xffff, v19  }
0x166: {  	v19 =	vld.idx.msk [tilespmem:v21+s15+$0x0], $0xffff  }
0x167: {  	v20 =	vadd.s32 v10, v17  }
0x168: {  	v21 =	vor.u32 $0xA, v18;
	_ =	sdelay $0x3  }
0x169: {  	[tilespmem:v20+s18+$0x0] =	vst.idx.msk $0xffff, v19  }
0x16a: {  	v19 =	vld.idx.msk [tilespmem:v21+s15+$0x0], $0xffff  }
0x16b: {  	v20 =	vadd.s32 v11, v17  }
0x16c: {  	v21 =	vor.u32 $0xB, v18;
	_ =	sdelay $0x3  }
0x16d: {  	[tilespmem:v20+s18+$0x0] =	vst.idx.msk $0xffff, v19  }
0x16e: {  	v19 =	vld.idx.msk [tilespmem:v21+s15+$0x0], $0xffff  }
0x16f: {  	v20 =	vadd.s32 v12, v17  }
0x170: {  	v21 =	vor.u32 $0xC, v18;
	_ =	sdelay $0x3  }
0x171: {  	[tilespmem:v20+s18+$0x0] =	vst.idx.msk $0xffff, v19  }
0x172: {  	v19 =	vld.idx.msk [tilespmem:v21+s15+$0x0], $0xffff  }
0x173: {  	v20 =	vadd.s32 v13, v17  }
0x174: {  	v21 =	vor.u32 $0xD, v18;
	_ =	sdelay $0x3  }
0x175: {  	[tilespmem:v20+s18+$0x0] =	vst.idx.msk $0xffff, v19  }
0x176: {  	v19 =	vld.idx.msk [tilespmem:v21+s15+$0x0], $0xffff  }
0x177: {  	v20 =	vadd.s32 v14, v17  }
0x178: {  	v21 =	vor.u32 $0xE, v18;
	_ =	sdelay $0x3  }
0x179: {  	[tilespmem:v20+s18+$0x0] =	vst.idx.msk $0xffff, v19  }
0x17a: {  	v19 =	vld.idx.msk [tilespmem:v21+s15+$0x0], $0xffff  }
0x17b: {  	v20 =	vadd.s32 v15, v17  }
0x17c: {  	v18 =	vor.u32 $0xF, v18;
	_ =	sdelay $0x1  }
.Ltmp1:
0x17d: {  	(pc) =	sbr.rel @p0 .LBB2_4-.Ltmp1, $4  }
0x17e: {  	_ = 	snop  }
0x17f: {  	[tilespmem:v20+s18+$0x0] =	vst.idx.msk $0xffff, v19  }
0x180: {  	v18 =	vld.idx.msk [tilespmem:v18+s15+$0x0], $0xffff  }
0x181: {  	v17 =	vadd.s32 v16, v17  }
0x182: {  	_ =	sdelay $0x3  }
0x183: {  	[tilespmem:v17+s18+$0x0] =	vst.idx.msk $0xffff, v18  }
0x184: {  	_ =	swait.ge [sflag:s1], $0x8000  }
0x185: {  	[sflag:s1] =	ssyncset.done $0x0  }
0x186: {  	s7 =	simm.s32 $0x0;
	s19 =	rddreg [dreg:$0x7];
	[sflag:s1] =	ssyncadd.s32 $0xFFFF8000  }
0x187: {  	[hbm4b:s19+s7] =	stream.linear.scatter [tilespmem:s18], [sflag:$0x4], $0xC000, $0x38;
	[tilespmem:$0x18400] =	vst v63  }
0x188: {  	_ =	swait.ge [sflag:s17], $0xC000  }
0x189: {  	[sflag:s17] =	ssyncset.done $0x0  }
0x18a: {  	[sflag:s17] =	ssyncadd.s32 $0xFFFF4000  }
0x18b: {  	[tilespmem:s18], [sflag:$0x2] =	stream.linear.gather [hbm4b:s10+s7], $0x800, $0x38;
	[tilespmem:$0x18400] =	vst v63  }
0x18c: {  	s20 =	simm.s32 $0xD000;
	s19 =	sadd.s32 $0x100, s10  }
0x18d: {  	[tilespmem:s20], [sflag:$0x2] =	stream.linear.gather [hbm4b:s19+s7], $0x800, $0x38;
	[tilespmem:$0x18400] =	vst v63  }
0x18e: {  	s19 =	sadd.s32 $0x200, s10;
	s20 =	simm.s32 $0xDC00  }
0x18f: {  	[tilespmem:s20], [sflag:$0x2] =	stream.linear.gather [hbm4b:s19+s7], $0x800, $0x38;
	[tilespmem:$0x18400] =	vst v63  }
0x190: {  	s20 =	sadd.s32 $0x300, s10  }
0x191: {  	[tilespmem:s22], [sflag:$0x2] =	stream.linear.gather [hbm4b:s20+s7], $0x800, $0x38;
	[tilespmem:$0x18400] =	vst v63  }
0x192: {  	s20 =	sadd.s32 $0x400, s10  }
0x193: {  	[tilespmem:s23], [sflag:$0x2] =	stream.linear.gather [hbm4b:s20+s7], $0x800, $0x38;
	[tilespmem:$0x18400] =	vst v63  }
0x194: {  	s20 =	sadd.s32 $0x500, s10  }
0x195: {  	[tilespmem:s24], [sflag:$0x2] =	stream.linear.gather [hbm4b:s20+s7], $0x800, $0x38;
	[tilespmem:$0x18400] =	vst v63  }
0x196: {  	s20 =	sadd.s32 $0x600, s10  }
0x197: {  	[tilespmem:s25], [sflag:$0x2] =	stream.linear.gather [hbm4b:s20+s7], $0x800, $0x38;
	[tilespmem:$0x18400] =	vst v63  }
0x198: {  	s20 =	sadd.s32 $0x700, s10  }
0x199: {  	[tilespmem:s26], [sflag:$0x2] =	stream.linear.gather [hbm4b:s20+s7], $0x800, $0x38;
	[tilespmem:$0x18400] =	vst v63  }
0x19a: {  	s20 =	sadd.s32 $0x800, s10  }
0x19b: {  	[tilespmem:s28], [sflag:$0x2] =	stream.linear.gather [hbm4b:s20+s7], $0x800, $0x38;
	[tilespmem:$0x18400] =	vst v63  }
0x19c: {  	s20 =	sadd.s32 $0x900, s10  }
0x19d: {  	[tilespmem:s9], [sflag:$0x2] =	stream.linear.gather [hbm4b:s20+s7], $0x800, $0x38;
	[tilespmem:$0x18400] =	vst v63  }
0x19e: {  	s20 =	sadd.s32 $0xA00, s10  }
0x19f: {  	[tilespmem:s29], [sflag:$0x2] =	stream.linear.gather [hbm4b:s20+s7], $0x800, $0x38;
	[tilespmem:$0x18400] =	vst v63  }
0x1a0: {  	s20 =	sadd.s32 $0xB00, s10  }
0x1a1: {  	[tilespmem:s11], [sflag:$0x2] =	stream.linear.gather [hbm4b:s20+s7], $0x800, $0x38;
	[tilespmem:$0x18400] =	vst v63  }
0x1a2: {  	s20 =	sadd.s32 $0xC00, s10  }
0x1a3: {  	[tilespmem:s30], [sflag:$0x2] =	stream.linear.gather [hbm4b:s20+s7], $0x800, $0x38;
	[tilespmem:$0x18400] =	vst v63  }
0x1a4: {  	s20 =	sadd.s32 $0xD00, s10  }
0x1a5: {  	[tilespmem:s12], [sflag:$0x2] =	stream.linear.gather [hbm4b:s20+s7], $0x800, $0x38;
	[tilespmem:$0x18400] =	vst v63  }
0x1a6: {  	s20 =	sadd.s32 $0xE00, s10  }
0x1a7: {  	[tilespmem:s31], [sflag:$0x2] =	stream.linear.gather [hbm4b:s20+s7], $0x800, $0x38;
	[tilespmem:$0x18400] =	vst v63  }
0x1a8: {  	s19 =	simm.s32 $0x100;
	s20 =	sadd.s32 $0xF00, s10  }
0x1a9: {  	[tilespmem:s13], [sflag:$0x2] =	stream.linear.gather [hbm4b:s20+s7], $0x800, $0x38;
	[tilespmem:$0x18400] =	vst v63  }
0x1aa: {  	v17 =	vld [tilespmem:s19+$0x0];
	_ =	sdelay $0x4  }
0x1ab: {  	v17 =	vshll.u32 v17, $0x7  }
0x1ac: {  	v18 =	vor.u32 s7, v0  }
0x1ad: {  	v18 =	vshrl.u32 v18, $0x3  }
0x1ae: {  	v19 =	vmul.u32 $0xC00, v18;
	_ =	sdelay $0x1  }
0x1af: {  	v20 =	vadd.s32 v1, v19;
	v18 =	vld.idx.msk [tilespmem:v17+s15+$0x0], $0xffff  }
0x1b0: {  	v21 =	vor.u32 $0x1, v17;
	_ =	sdelay $0x3  }
0x1b1: {  	[tilespmem:v20+s16+$0x0] =	vst.idx.msk $0xffff, v18  }
0x1b2: {  	v20 =	vadd.s32 v2, v19;
	v18 =	vld.idx.msk [tilespmem:v21+s15+$0x0], $0xffff  }
0x1b3: {  	v51 =	vor.u32 $0x2, v17;
	_ =	sdelay $0x3  }
0x1b4: {  	[tilespmem:v20+s16+$0x0] =	vst.idx.msk $0xffff, v18  }
0x1b5: {  	v20 =	vadd.s32 v3, v19;
	v18 =	vld.idx.msk [tilespmem:v51+s15+$0x0], $0xffff  }
0x1b6: {  	v52 =	vor.u32 $0x3, v17;
	_ =	sdelay $0x3  }
0x1b7: {  	[tilespmem:v20+s16+$0x0] =	vst.idx.msk $0xffff, v18  }
0x1b8: {  	v20 =	vadd.s32 v4, v19;
	v18 =	vld.idx.msk [tilespmem:v52+s15+$0x0], $0xffff  }
0x1b9: {  	v53 =	vor.u32 $0x4, v17;
	_ =	sdelay $0x3  }
0x1ba: {  	[tilespmem:v20+s16+$0x0] =	vst.idx.msk $0xffff, v18  }
0x1bb: {  	v20 =	vadd.s32 v5, v19;
	v18 =	vld.idx.msk [tilespmem:v53+s15+$0x0], $0xffff  }
0x1bc: {  	v54 =	vor.u32 $0x5, v17;
	_ =	sdelay $0x3  }
0x1bd: {  	[tilespmem:v20+s16+$0x0] =	vst.idx.msk $0xffff, v18  }
0x1be: {  	v20 =	vadd.s32 v6, v19;
	v18 =	vld.idx.msk [tilespmem:v54+s15+$0x0], $0xffff  }
0x1bf: {  	v55 =	vor.u32 $0x6, v17;
	_ =	sdelay $0x3  }
0x1c0: {  	[tilespmem:v20+s16+$0x0] =	vst.idx.msk $0xffff, v18  }
0x1c1: {  	v20 =	vadd.s32 v7, v19;
	v18 =	vld.idx.msk [tilespmem:v55+s15+$0x0], $0xffff  }
0x1c2: {  	v56 =	vor.u32 $0x7, v17;
	_ =	sdelay $0x3  }
0x1c3: {  	[tilespmem:v20+s16+$0x0] =	vst.idx.msk $0xffff, v18  }
0x1c4: {  	v20 =	vadd.s32 v8, v19;
	v18 =	vld.idx.msk [tilespmem:v56+s15+$0x0], $0xffff  }
0x1c5: {  	v57 =	vor.u32 $0x8, v17;
	_ =	sdelay $0x3  }
0x1c6: {  	[tilespmem:v20+s16+$0x0] =	vst.idx.msk $0xffff, v18  }
0x1c7: {  	v20 =	vadd.s32 v9, v19;
	v18 =	vld.idx.msk [tilespmem:v57+s15+$0x0], $0xffff  }
0x1c8: {  	v58 =	vor.u32 $0x9, v17;
	_ =	sdelay $0x3  }
0x1c9: {  	[tilespmem:v20+s16+$0x0] =	vst.idx.msk $0xffff, v18  }
0x1ca: {  	v20 =	vadd.s32 v10, v19;
	v18 =	vld.idx.msk [tilespmem:v58+s15+$0x0], $0xffff  }
0x1cb: {  	v59 =	vor.u32 $0xA, v17;
	_ =	sdelay $0x3  }
0x1cc: {  	[tilespmem:v20+s16+$0x0] =	vst.idx.msk $0xffff, v18  }
0x1cd: {  	v20 =	vadd.s32 v11, v19;
	v18 =	vld.idx.msk [tilespmem:v59+s15+$0x0], $0xffff  }
0x1ce: {  	v60 =	vor.u32 $0xB, v17;
	_ =	sdelay $0x3  }
0x1cf: {  	[tilespmem:v20+s16+$0x0] =	vst.idx.msk $0xffff, v18  }
0x1d0: {  	v20 =	vadd.s32 v12, v19;
	v18 =	vld.idx.msk [tilespmem:v60+s15+$0x0], $0xffff  }
0x1d1: {  	v61 =	vor.u32 $0xC, v17;
	_ =	sdelay $0x3  }
0x1d2: {  	[tilespmem:v20+s16+$0x0] =	vst.idx.msk $0xffff, v18  }
0x1d3: {  	v20 =	vadd.s32 v13, v19;
	v18 =	vld.idx.msk [tilespmem:v61+s15+$0x0], $0xffff  }
0x1d4: {  	v62 =	vor.u32 $0xD, v17;
	_ =	sdelay $0x3  }
0x1d5: {  	[tilespmem:v20+s16+$0x0] =	vst.idx.msk $0xffff, v18  }
0x1d6: {  	v20 =	vadd.s32 v14, v19;
	v18 =	vld.idx.msk [tilespmem:v62+s15+$0x0], $0xffff  }
0x1d7: {  	v63 =	vor.u32 $0xE, v17;
	_ =	sdelay $0x3  }
0x1d8: {  	[tilespmem:v20+s16+$0x0] =	vst.idx.msk $0xffff, v18  }
0x1d9: {  	v20 =	vadd.s32 v15, v19;
	v18 =	vld.idx.msk [tilespmem:v63+s15+$0x0], $0xffff  }
0x1da: {  	v17 =	vor.u32 $0xF, v17;
	_ =	sdelay $0x3  }
0x1db: {  	[tilespmem:v20+s16+$0x0] =	vst.idx.msk $0xffff, v18  }
0x1dc: {  	s20 =	simm.s32 $0x10;
	v18 =	vld.idx.msk [tilespmem:v17+s15+$0x0], $0xffff;
	v17 =	vadd.s32 v16, v19  }
.LBB2_6:
0x1dd: {  	_ =	sdelay $0x2  }
0x1de: {  	p0 =	sne.s32 s20, $0x70  }
0x1df: {  	s19 =	sadd.s32 $0x10, s19;
	s7 =	smov.u32 s20;
	s20 =	sadd.s32 $0x10, s20;
	[tilespmem:v17+s16+$0x0] =	vst.idx.msk $0xffff, v18  }
0x1e0: {  	v17 =	vld [tilespmem:s19+$0x0];
	_ =	sdelay $0x4  }
0x1e1: {  	v18 =	vshll.u32 v17, $0x7;
	_ =	sdelay $0x1  }
0x1e2: {  	v17 =	vor.u32 s7, v0  }
0x1e3: {  	v17 =	vshrl.u32 v17, $0x3  }
0x1e4: {  	v17 =	vmul.u32 $0xC00, v17  }
0x1e5: {  	v19 =	vld.idx.msk [tilespmem:v18+s15+$0x0], $0xffff  }
0x1e6: {  	v20 =	vadd.s32 v1, v17  }
0x1e7: {  	v21 =	vor.u32 $0x1, v18;
	_ =	sdelay $0x3  }
0x1e8: {  	[tilespmem:v20+s16+$0x0] =	vst.idx.msk $0xffff, v19  }
0x1e9: {  	v19 =	vld.idx.msk [tilespmem:v21+s15+$0x0], $0xffff  }
0x1ea: {  	v20 =	vadd.s32 v2, v17  }
0x1eb: {  	v21 =	vor.u32 $0x2, v18;
	_ =	sdelay $0x3  }
0x1ec: {  	[tilespmem:v20+s16+$0x0] =	vst.idx.msk $0xffff, v19  }
0x1ed: {  	v19 =	vld.idx.msk [tilespmem:v21+s15+$0x0], $0xffff  }
0x1ee: {  	v20 =	vadd.s32 v3, v17  }
0x1ef: {  	v21 =	vor.u32 $0x3, v18;
	_ =	sdelay $0x3  }
0x1f0: {  	[tilespmem:v20+s16+$0x0] =	vst.idx.msk $0xffff, v19  }
0x1f1: {  	v19 =	vld.idx.msk [tilespmem:v21+s15+$0x0], $0xffff  }
0x1f2: {  	v20 =	vadd.s32 v4, v17  }
0x1f3: {  	v21 =	vor.u32 $0x4, v18;
	_ =	sdelay $0x3  }
0x1f4: {  	[tilespmem:v20+s16+$0x0] =	vst.idx.msk $0xffff, v19  }
0x1f5: {  	v19 =	vld.idx.msk [tilespmem:v21+s15+$0x0], $0xffff  }
0x1f6: {  	v20 =	vadd.s32 v5, v17  }
0x1f7: {  	v21 =	vor.u32 $0x5, v18;
	_ =	sdelay $0x3  }
0x1f8: {  	[tilespmem:v20+s16+$0x0] =	vst.idx.msk $0xffff, v19  }
0x1f9: {  	v19 =	vld.idx.msk [tilespmem:v21+s15+$0x0], $0xffff  }
0x1fa: {  	v20 =	vadd.s32 v6, v17  }
0x1fb: {  	v21 =	vor.u32 $0x6, v18;
	_ =	sdelay $0x3  }
0x1fc: {  	[tilespmem:v20+s16+$0x0] =	vst.idx.msk $0xffff, v19  }
0x1fd: {  	v19 =	vld.idx.msk [tilespmem:v21+s15+$0x0], $0xffff  }
0x1fe: {  	v20 =	vadd.s32 v7, v17  }
0x1ff: {  	v21 =	vor.u32 $0x7, v18;
	_ =	sdelay $0x3  }
0x200: {  	[tilespmem:v20+s16+$0x0] =	vst.idx.msk $0xffff, v19  }
0x201: {  	v19 =	vld.idx.msk [tilespmem:v21+s15+$0x0], $0xffff  }
0x202: {  	v20 =	vadd.s32 v8, v17  }
0x203: {  	v21 =	vor.u32 $0x8, v18;
	_ =	sdelay $0x3  }
0x204: {  	[tilespmem:v20+s16+$0x0] =	vst.idx.msk $0xffff, v19  }
0x205: {  	v19 =	vld.idx.msk [tilespmem:v21+s15+$0x0], $0xffff  }
0x206: {  	v20 =	vadd.s32 v9, v17  }
0x207: {  	v21 =	vor.u32 $0x9, v18;
	_ =	sdelay $0x3  }
0x208: {  	[tilespmem:v20+s16+$0x0] =	vst.idx.msk $0xffff, v19  }
0x209: {  	v19 =	vld.idx.msk [tilespmem:v21+s15+$0x0], $0xffff  }
0x20a: {  	v20 =	vadd.s32 v10, v17  }
0x20b: {  	v21 =	vor.u32 $0xA, v18;
	_ =	sdelay $0x3  }
0x20c: {  	[tilespmem:v20+s16+$0x0] =	vst.idx.msk $0xffff, v19  }
0x20d: {  	v19 =	vld.idx.msk [tilespmem:v21+s15+$0x0], $0xffff  }
0x20e: {  	v20 =	vadd.s32 v11, v17  }
0x20f: {  	v21 =	vor.u32 $0xB, v18;
	_ =	sdelay $0x3  }
0x210: {  	[tilespmem:v20+s16+$0x0] =	vst.idx.msk $0xffff, v19  }
0x211: {  	v19 =	vld.idx.msk [tilespmem:v21+s15+$0x0], $0xffff  }
0x212: {  	v20 =	vadd.s32 v12, v17  }
0x213: {  	v21 =	vor.u32 $0xC, v18;
	_ =	sdelay $0x3  }
0x214: {  	[tilespmem:v20+s16+$0x0] =	vst.idx.msk $0xffff, v19  }
0x215: {  	v19 =	vld.idx.msk [tilespmem:v21+s15+$0x0], $0xffff  }
0x216: {  	v20 =	vadd.s32 v13, v17  }
0x217: {  	v21 =	vor.u32 $0xD, v18;
	_ =	sdelay $0x3  }
0x218: {  	[tilespmem:v20+s16+$0x0] =	vst.idx.msk $0xffff, v19  }
0x219: {  	v19 =	vld.idx.msk [tilespmem:v21+s15+$0x0], $0xffff  }
0x21a: {  	v20 =	vadd.s32 v14, v17  }
0x21b: {  	v21 =	vor.u32 $0xE, v18;
	_ =	sdelay $0x3  }
0x21c: {  	[tilespmem:v20+s16+$0x0] =	vst.idx.msk $0xffff, v19  }
0x21d: {  	v19 =	vld.idx.msk [tilespmem:v21+s15+$0x0], $0xffff  }
0x21e: {  	v20 =	vadd.s32 v15, v17  }
0x21f: {  	v18 =	vor.u32 $0xF, v18;
	_ =	sdelay $0x1  }
.Ltmp2:
0x220: {  	(pc) =	sbr.rel @p0 .LBB2_6-.Ltmp2, $4  }
0x221: {  	_ = 	snop  }
0x222: {  	[tilespmem:v20+s16+$0x0] =	vst.idx.msk $0xffff, v19  }
0x223: {  	v18 =	vld.idx.msk [tilespmem:v18+s15+$0x0], $0xffff  }
0x224: {  	v17 =	vadd.s32 v16, v17  }
0x225: {  	_ =	sdelay $0x3  }
0x226: {  	[tilespmem:v17+s16+$0x0] =	vst.idx.msk $0xffff, v18  }
0x227: {  	_ =	swait.ge [sflag:s0], $0x8000  }
0x228: {  	[sflag:s0] =	ssyncset.done $0x0  }
0x229: {  	s7 =	simm.s32 $0x0;
	s19 =	rddreg [dreg:$0x8];
	[sflag:s0] =	ssyncadd.s32 $0xFFFF8000  }
0x22a: {  	[hbm4b:s19+s7] =	stream.linear.scatter [tilespmem:s16], [sflag:$0x3], $0xC000, $0x38;
	[tilespmem:$0x18400] =	vst v63  }
0x22b: {  	s19 =	simm.s32 $0x180  }
0x22c: {  	v17 =	vld [tilespmem:s19+$0x0];
	_ =	sdelay $0x4  }
0x22d: {  	v17 =	vshll.u32 v17, $0x7  }
0x22e: {  	v18 =	vor.u32 s7, v0  }
0x22f: {  	v18 =	vshrl.u32 v18, $0x3  }
0x230: {  	v19 =	vmul.u32 $0xC00, v18;
	_ =	sdelay $0x1  }
0x231: {  	v20 =	vadd.s32 v1, v19;
	v18 =	vld.idx.msk [tilespmem:v17+s15+$0x0], $0xffff  }
0x232: {  	v21 =	vor.u32 $0x1, v17;
	_ =	sdelay $0x3  }
0x233: {  	[tilespmem:v20+s18+$0x0] =	vst.idx.msk $0xffff, v18  }
0x234: {  	v20 =	vadd.s32 v2, v19;
	v18 =	vld.idx.msk [tilespmem:v21+s15+$0x0], $0xffff  }
0x235: {  	v51 =	vor.u32 $0x2, v17;
	_ =	sdelay $0x3  }
0x236: {  	[tilespmem:v20+s18+$0x0] =	vst.idx.msk $0xffff, v18  }
0x237: {  	v20 =	vadd.s32 v3, v19;
	v18 =	vld.idx.msk [tilespmem:v51+s15+$0x0], $0xffff  }
0x238: {  	v52 =	vor.u32 $0x3, v17;
	_ =	sdelay $0x3  }
0x239: {  	[tilespmem:v20+s18+$0x0] =	vst.idx.msk $0xffff, v18  }
0x23a: {  	v20 =	vadd.s32 v4, v19;
	v18 =	vld.idx.msk [tilespmem:v52+s15+$0x0], $0xffff  }
0x23b: {  	v53 =	vor.u32 $0x4, v17;
	_ =	sdelay $0x3  }
0x23c: {  	[tilespmem:v20+s18+$0x0] =	vst.idx.msk $0xffff, v18  }
0x23d: {  	v20 =	vadd.s32 v5, v19;
	v18 =	vld.idx.msk [tilespmem:v53+s15+$0x0], $0xffff  }
0x23e: {  	v54 =	vor.u32 $0x5, v17;
	_ =	sdelay $0x3  }
0x23f: {  	[tilespmem:v20+s18+$0x0] =	vst.idx.msk $0xffff, v18  }
0x240: {  	v20 =	vadd.s32 v6, v19;
	v18 =	vld.idx.msk [tilespmem:v54+s15+$0x0], $0xffff  }
0x241: {  	v55 =	vor.u32 $0x6, v17;
	_ =	sdelay $0x3  }
0x242: {  	[tilespmem:v20+s18+$0x0] =	vst.idx.msk $0xffff, v18  }
0x243: {  	v20 =	vadd.s32 v7, v19;
	v18 =	vld.idx.msk [tilespmem:v55+s15+$0x0], $0xffff  }
0x244: {  	v56 =	vor.u32 $0x7, v17;
	_ =	sdelay $0x3  }
0x245: {  	[tilespmem:v20+s18+$0x0] =	vst.idx.msk $0xffff, v18  }
0x246: {  	v20 =	vadd.s32 v8, v19;
	v18 =	vld.idx.msk [tilespmem:v56+s15+$0x0], $0xffff  }
0x247: {  	v57 =	vor.u32 $0x8, v17;
	_ =	sdelay $0x3  }
0x248: {  	[tilespmem:v20+s18+$0x0] =	vst.idx.msk $0xffff, v18  }
0x249: {  	v20 =	vadd.s32 v9, v19;
	v18 =	vld.idx.msk [tilespmem:v57+s15+$0x0], $0xffff  }
0x24a: {  	v58 =	vor.u32 $0x9, v17;
	_ =	sdelay $0x3  }
0x24b: {  	[tilespmem:v20+s18+$0x0] =	vst.idx.msk $0xffff, v18  }
0x24c: {  	v20 =	vadd.s32 v10, v19;
	v18 =	vld.idx.msk [tilespmem:v58+s15+$0x0], $0xffff  }
0x24d: {  	v59 =	vor.u32 $0xA, v17;
	_ =	sdelay $0x3  }
0x24e: {  	[tilespmem:v20+s18+$0x0] =	vst.idx.msk $0xffff, v18  }
0x24f: {  	v20 =	vadd.s32 v11, v19;
	v18 =	vld.idx.msk [tilespmem:v59+s15+$0x0], $0xffff  }
0x250: {  	v60 =	vor.u32 $0xB, v17;
	_ =	sdelay $0x3  }
0x251: {  	[tilespmem:v20+s18+$0x0] =	vst.idx.msk $0xffff, v18  }
0x252: {  	v20 =	vadd.s32 v12, v19;
	v18 =	vld.idx.msk [tilespmem:v60+s15+$0x0], $0xffff  }
0x253: {  	v61 =	vor.u32 $0xC, v17;
	_ =	sdelay $0x3  }
0x254: {  	[tilespmem:v20+s18+$0x0] =	vst.idx.msk $0xffff, v18  }
0x255: {  	v20 =	vadd.s32 v13, v19;
	v18 =	vld.idx.msk [tilespmem:v61+s15+$0x0], $0xffff  }
0x256: {  	v62 =	vor.u32 $0xD, v17;
	_ =	sdelay $0x3  }
0x257: {  	[tilespmem:v20+s18+$0x0] =	vst.idx.msk $0xffff, v18  }
0x258: {  	v20 =	vadd.s32 v14, v19;
	v18 =	vld.idx.msk [tilespmem:v62+s15+$0x0], $0xffff  }
0x259: {  	v63 =	vor.u32 $0xE, v17;
	_ =	sdelay $0x3  }
0x25a: {  	[tilespmem:v20+s18+$0x0] =	vst.idx.msk $0xffff, v18  }
0x25b: {  	v20 =	vadd.s32 v15, v19;
	v18 =	vld.idx.msk [tilespmem:v63+s15+$0x0], $0xffff  }
0x25c: {  	v17 =	vor.u32 $0xF, v17;
	_ =	sdelay $0x3  }
0x25d: {  	[tilespmem:v20+s18+$0x0] =	vst.idx.msk $0xffff, v18  }
0x25e: {  	s20 =	simm.s32 $0x10;
	v18 =	vld.idx.msk [tilespmem:v17+s15+$0x0], $0xffff;
	v17 =	vadd.s32 v16, v19  }
.LBB2_8:
0x25f: {  	_ =	sdelay $0x2  }
0x260: {  	p0 =	sne.s32 s20, $0x70  }
0x261: {  	s19 =	sadd.s32 $0x10, s19;
	s7 =	smov.u32 s20;
	s20 =	sadd.s32 $0x10, s20;
	[tilespmem:v17+s18+$0x0] =	vst.idx.msk $0xffff, v18  }
0x262: {  	v17 =	vld [tilespmem:s19+$0x0];
	_ =	sdelay $0x4  }
0x263: {  	v18 =	vshll.u32 v17, $0x7;
	_ =	sdelay $0x1  }
0x264: {  	v17 =	vor.u32 s7, v0  }
0x265: {  	v17 =	vshrl.u32 v17, $0x3  }
0x266: {  	v17 =	vmul.u32 $0xC00, v17  }
0x267: {  	v19 =	vld.idx.msk [tilespmem:v18+s15+$0x0], $0xffff  }
0x268: {  	v20 =	vadd.s32 v1, v17  }
0x269: {  	v21 =	vor.u32 $0x1, v18;
	_ =	sdelay $0x3  }
0x26a: {  	[tilespmem:v20+s18+$0x0] =	vst.idx.msk $0xffff, v19  }
0x26b: {  	v19 =	vld.idx.msk [tilespmem:v21+s15+$0x0], $0xffff  }
0x26c: {  	v20 =	vadd.s32 v2, v17  }
0x26d: {  	v21 =	vor.u32 $0x2, v18;
	_ =	sdelay $0x3  }
0x26e: {  	[tilespmem:v20+s18+$0x0] =	vst.idx.msk $0xffff, v19  }
0x26f: {  	v19 =	vld.idx.msk [tilespmem:v21+s15+$0x0], $0xffff  }
0x270: {  	v20 =	vadd.s32 v3, v17  }
0x271: {  	v21 =	vor.u32 $0x3, v18;
	_ =	sdelay $0x3  }
0x272: {  	[tilespmem:v20+s18+$0x0] =	vst.idx.msk $0xffff, v19  }
0x273: {  	v19 =	vld.idx.msk [tilespmem:v21+s15+$0x0], $0xffff  }
0x274: {  	v20 =	vadd.s32 v4, v17  }
0x275: {  	v21 =	vor.u32 $0x4, v18;
	_ =	sdelay $0x3  }
0x276: {  	[tilespmem:v20+s18+$0x0] =	vst.idx.msk $0xffff, v19  }
0x277: {  	v19 =	vld.idx.msk [tilespmem:v21+s15+$0x0], $0xffff  }
0x278: {  	v20 =	vadd.s32 v5, v17  }
0x279: {  	v21 =	vor.u32 $0x5, v18;
	_ =	sdelay $0x3  }
0x27a: {  	[tilespmem:v20+s18+$0x0] =	vst.idx.msk $0xffff, v19  }
0x27b: {  	v19 =	vld.idx.msk [tilespmem:v21+s15+$0x0], $0xffff  }
0x27c: {  	v20 =	vadd.s32 v6, v17  }
0x27d: {  	v21 =	vor.u32 $0x6, v18;
	_ =	sdelay $0x3  }
0x27e: {  	[tilespmem:v20+s18+$0x0] =	vst.idx.msk $0xffff, v19  }
0x27f: {  	v19 =	vld.idx.msk [tilespmem:v21+s15+$0x0], $0xffff  }
0x280: {  	v20 =	vadd.s32 v7, v17  }
0x281: {  	v21 =	vor.u32 $0x7, v18;
	_ =	sdelay $0x3  }
0x282: {  	[tilespmem:v20+s18+$0x0] =	vst.idx.msk $0xffff, v19  }
0x283: {  	v19 =	vld.idx.msk [tilespmem:v21+s15+$0x0], $0xffff  }
0x284: {  	v20 =	vadd.s32 v8, v17  }
0x285: {  	v21 =	vor.u32 $0x8, v18;
	_ =	sdelay $0x3  }
0x286: {  	[tilespmem:v20+s18+$0x0] =	vst.idx.msk $0xffff, v19  }
0x287: {  	v19 =	vld.idx.msk [tilespmem:v21+s15+$0x0], $0xffff  }
0x288: {  	v20 =	vadd.s32 v9, v17  }
0x289: {  	v21 =	vor.u32 $0x9, v18;
	_ =	sdelay $0x3  }
0x28a: {  	[tilespmem:v20+s18+$0x0] =	vst.idx.msk $0xffff, v19  }
0x28b: {  	v19 =	vld.idx.msk [tilespmem:v21+s15+$0x0], $0xffff  }
0x28c: {  	v20 =	vadd.s32 v10, v17  }
0x28d: {  	v21 =	vor.u32 $0xA, v18;
	_ =	sdelay $0x3  }
0x28e: {  	[tilespmem:v20+s18+$0x0] =	vst.idx.msk $0xffff, v19  }
0x28f: {  	v19 =	vld.idx.msk [tilespmem:v21+s15+$0x0], $0xffff  }
0x290: {  	v20 =	vadd.s32 v11, v17  }
0x291: {  	v21 =	vor.u32 $0xB, v18;
	_ =	sdelay $0x3  }
0x292: {  	[tilespmem:v20+s18+$0x0] =	vst.idx.msk $0xffff, v19  }
0x293: {  	v19 =	vld.idx.msk [tilespmem:v21+s15+$0x0], $0xffff  }
0x294: {  	v20 =	vadd.s32 v12, v17  }
0x295: {  	v21 =	vor.u32 $0xC, v18;
	_ =	sdelay $0x3  }
0x296: {  	[tilespmem:v20+s18+$0x0] =	vst.idx.msk $0xffff, v19  }
0x297: {  	v19 =	vld.idx.msk [tilespmem:v21+s15+$0x0], $0xffff  }
0x298: {  	v20 =	vadd.s32 v13, v17  }
0x299: {  	v21 =	vor.u32 $0xD, v18;
	_ =	sdelay $0x3  }
0x29a: {  	[tilespmem:v20+s18+$0x0] =	vst.idx.msk $0xffff, v19  }
0x29b: {  	v19 =	vld.idx.msk [tilespmem:v21+s15+$0x0], $0xffff  }
0x29c: {  	v20 =	vadd.s32 v14, v17  }
0x29d: {  	v21 =	vor.u32 $0xE, v18;
	_ =	sdelay $0x3  }
0x29e: {  	[tilespmem:v20+s18+$0x0] =	vst.idx.msk $0xffff, v19  }
0x29f: {  	v19 =	vld.idx.msk [tilespmem:v21+s15+$0x0], $0xffff  }
0x2a0: {  	v20 =	vadd.s32 v15, v17  }
0x2a1: {  	v18 =	vor.u32 $0xF, v18;
	_ =	sdelay $0x1  }
.Ltmp3:
0x2a2: {  	(pc) =	sbr.rel @p0 .LBB2_8-.Ltmp3, $4  }
0x2a3: {  	_ = 	snop  }
0x2a4: {  	[tilespmem:v20+s18+$0x0] =	vst.idx.msk $0xffff, v19  }
0x2a5: {  	v18 =	vld.idx.msk [tilespmem:v18+s15+$0x0], $0xffff  }
0x2a6: {  	v17 =	vadd.s32 v16, v17  }
0x2a7: {  	_ =	sdelay $0x3  }
0x2a8: {  	[tilespmem:v17+s18+$0x0] =	vst.idx.msk $0xffff, v18  }
0x2a9: {  	_ =	swait.ge [sflag:s1], $0x8000  }
0x2aa: {  	[sflag:s1] =	ssyncset.done $0x0  }
0x2ab: {  	s7 =	rddreg [dreg:$0x9];
	[sflag:s1] =	ssyncadd.s32 $0xFFFF8000  }
0x2ac: {  	[hbm4b:s7+s3] =	stream.linear.scatter [tilespmem:s18], [sflag:$0x4], $0xC000, $0x38;
	[tilespmem:$0x18400] =	vst v63  }
0x2ad: {  	_ =	swait.ge [sflag:s2], $0xC000  }
0x2ae: {  	[sflag:s2] =	ssyncset.done $0x0  }
0x2af: {  	[sflag:s2] =	ssyncadd.s32 $0xFFFF4000  }
0x2b0: {  	_ =	swait.ge [sflag:s17], $0xC000  }
0x2b1: {  	s4 =	sadd.s32 $0x1, s4;
	s20 =	rddreg [dreg:$0xa]  }
0x2b2: {  	p0 =	sne.s32 s4, s20  }
.Ltmp4:
0x2b3: {  	_ = 	snop;
	(pc) =	sbr.rel @p0 .LBB2_1-.Ltmp4, $3  }
0x2b4: {  	_ =	sdelay $0x1  }
0x2b5: {  	[sflag:s17] =	ssyncset.done $0x0  }
0x2b6: {  	[sflag:s17] =	ssyncadd.s32 $0xFFFF4000  }
0x2b7: {  	_ =	sfence.sel $0x180000  }
0x2b8: {  	[bflag:$0x0] =	sbarrier.arrive $0xFFFF  }
0x2b9: {  	_ =	strace $0x90000047  }
0x2ba: {  	s0 =	stileid.u32;
	[bflag:$0x2] =	sbarrier.arrive $0xFFFF  }
0x2bb: {  	p0 =	sne.s32 s0, $0x0;
	s0 =	rddreg [dreg:$0x4]  }
0x2bc: {  	s0 =	sadd.s32 @!p0 $0x100000, s0  }
0x2bd: {  	[sflag:s0] =	ssyncadd.tile.s32 @!p0 $0x1;
	_ =	shalt  }
.Lfunc_end2:
_tile_overlayer_lowered:
.L_overlay_start_2:
0x2be: {  	(tag) =	ssettag $0x2  }
0x2bf: {  	s0 =	rddreg [dreg:$0x0];
	s2 =	stileid.u32  }
0x2c0: {  	s1 =	rddreg [dreg:$0x1];
	p0 =	sne.s32 s2, $0x0  }
0x2c1: {  	s3 =	rddreg [dreg:$0x2];
	[bflag:$0x3] =	sbarrier.arrive $0xFFFF;
	s2 =	simm.s32 @!p0 $0x1C05  }
0x2c2: {  	[timem:s3], [sflag:s2] =	dma.local @!p0 [hbm:s0], s1  }
0x2c3: {  	s0 =	simm.s32 @!p0 $0x5  }
0x2c4: {  	_ =	swait.ge @!p0 [sflag:s0], s1  }
0x2c5: {  	s1 =	ssub.s32 @!p0 $0x0, s1;
	[sflag:s0] =	ssyncset.done @!p0 $0x0  }
0x2c6: {  	[sflag:s0] =	ssyncadd.s32 @!p0 s1  }
0x2c7: {  	[bflag:$0x3] =	sbarrier.arrive $0xFFFF  }
0x2c8: {  	_ =	shalt  }

</sc_bundles>
